<compile_context>
chip_gen: v7x
topology: tpu7x:2x2x1
jax: 0.10.2.dev20260603
libtpu: 0.0.44.dev20260713+nightly
codegen_flags: <defaults>
</compile_context>

<pallas_src>
import jax
import jax.numpy as jnp
from jax import lax
from jax.experimental import pallas as pl
from jax.experimental.pallas import tpu as pltpu
from jax.experimental.pallas import tpu_sc as plsc

N = 10000
E = 320000
D = 128
H = 8
NCLS = 10
SLOPE = 0.01

NCORE = 2
NSUB = 16
NW = NCORE * NSUB
EW = E // NW
CH = 5000
NCH = EW // CH
RPS = 624
TAIL = N - NSUB * RPS


def _leaky(v):
    return jnp.where(v >= 0, v, SLOPE * v)



def _mm_body(x_ref, w_ref, o_ref):
    o_ref[:] = jnp.dot(x_ref[:], w_ref[:], preferred_element_type=jnp.float32)


def _mlp_body(t_ref, p_ref, b1_ref, w2_ref, b2_ref, w3_ref, g_ref):
    z = _leaky(t_ref[:] + p_ref[0] + p_ref[1] + b1_ref[:])
    h1 = _leaky(jnp.dot(z, w2_ref[:], preferred_element_type=jnp.float32) + b2_ref[:])
    g_ref[:] = jnp.dot(h1, w3_ref[:], preferred_element_type=jnp.float32)


def _head_body(g_ref, p_ref, b3_ref, w4_ref, b4_ref, wfc1_ref, bfc1_ref,
               wfc2_ref, bfc2_ref, o_ref):
    z = _leaky(g_ref[:] + p_ref[0] + p_ref[1] + b3_ref[:])
    h2 = jnp.dot(z, w4_ref[:], preferred_element_type=jnp.float32) + b4_ref[:]
    q = jnp.dot(_leaky(h2), wfc1_ref[:], preferred_element_type=jnp.float32) + bfc1_ref[:]
    s = _leaky(q)
    r = jnp.sum(s * wfc2_ref[:], axis=0, keepdims=True) + bfc2_ref[:]
    m = jnp.max(r, axis=1, keepdims=True)
    o_ref[:] = r - m - jnp.log(jnp.sum(jnp.exp(r - m), axis=1, keepdims=True))



def _sc_scatter_body(t_hbm, edges_hbm, zero_hbm, out_hbm,
                     src_v, dst_v, rows0_v, rows1_v, acc_sh, sem0, sem1):
    cid = lax.axis_index("c")
    sid = lax.axis_index("s")
    wid = cid * NSUB + sid
    pltpu.sync_copy(zero_hbm.at[pl.ds(sid * RPS, RPS)],
                    acc_sh.at[pl.ds(sid * RPS, RPS)])

    @pl.when(sid == NSUB - 1)
    def _zero_tail():
        pltpu.sync_copy(zero_hbm.at[pl.ds(NSUB * RPS, TAIL)],
                        acc_sh.at[pl.ds(NSUB * RPS, TAIL)])

    pltpu.sync_copy(edges_hbm.at[0, wid], src_v)
    pltpu.sync_copy(edges_hbm.at[1, wid], dst_v)
    plsc.subcore_barrier()

    g0 = pltpu.async_copy(t_hbm.at[src_v.at[0]], rows0_v, sem0)
    g1 = pltpu.async_copy(t_hbm.at[src_v.at[1]], rows1_v, sem1)
    g0.wait()
    pltpu.sync_copy(rows0_v, acc_sh.at[dst_v.at[0]], add=True)
    g1.wait()
    pltpu.sync_copy(rows1_v, acc_sh.at[dst_v.at[1]], add=True)
    plsc.subcore_barrier()
    pltpu.sync_copy(acc_sh.at[pl.ds(sid * RPS, RPS)],
                    out_hbm.at[cid, pl.ds(sid * RPS, RPS)])

    @pl.when(sid == NSUB - 1)
    def _write_tail():
        pltpu.sync_copy(acc_sh.at[pl.ds(NSUB * RPS, TAIL)],
                        out_hbm.at[cid, pl.ds(NSUB * RPS, TAIL)])


_sc_scatter = pl.kernel(
    _sc_scatter_body,
    out_type=jax.ShapeDtypeStruct((NCORE, N, H), jnp.float32),
    mesh=plsc.VectorSubcoreMesh(core_axis_name="c", subcore_axis_name="s",
                                num_cores=NCORE, num_subcores=NSUB),
    scratch_types=[
        pltpu.VMEM((NCH, CH), jnp.int32),
        pltpu.VMEM((NCH, CH), jnp.int32),
        pltpu.VMEM((CH, H), jnp.float32),
        pltpu.VMEM((CH, H), jnp.float32),
        pltpu.VMEM_SHARED((N, H), jnp.float32),
        pltpu.SemaphoreType.DMA,
        pltpu.SemaphoreType.DMA,
    ],
    compiler_params=pltpu.CompilerParams(use_tc_tiling_on_sc=False),
)



def kernel(x, edge_index, batch, W1, b1, W2, b2, W3, b3, W4, b4,
           Wfc1, bfc1, Wfc2, bfc2):
    edges = edge_index.reshape(2, NW, NCH, CH)
    zero = jnp.zeros((N, H), jnp.float32)

    t1 = pl.pallas_call(
        _mm_body,
        out_shape=jax.ShapeDtypeStruct((N, H), jnp.float32),
    )(x, W1)

    p1 = _sc_scatter(t1, edges, zero)

    g = pl.pallas_call(
        _mlp_body,
        out_shape=jax.ShapeDtypeStruct((N, H), jnp.float32),
    )(t1, p1, b1.reshape(1, H), W2, b2.reshape(1, H), W3)

    p2 = _sc_scatter(g, edges, zero)

    out = pl.pallas_call(
        _head_body,
        out_shape=jax.ShapeDtypeStruct((1, NCLS), jnp.float32),
    )(g, p2, b3.reshape(1, H), W4, b4.reshape(1, H),
      Wfc1, bfc1.reshape(1, 1), Wfc2, bfc2.reshape(1, NCLS))

    return out

# --- scband reference (transcript-rebuilt; emitter-appended) ---
"""Pipeline reference for scband-gin-classifier-to-explain-v2-54322746360002 (READ-ONLY COPY).

The authoritative reference and input builder live on the scoring server;
editing this copy changes nothing except your own understanding.
"""

import jax, jax.numpy as jnp
import numpy as np

N_NODES = 10000
N_EDGES = 320000
D_FEAT = 128
HID = 8
OUT = 8
N_CLASSES = 10
SLOPE = 0.01


def setup_inputs(seed: int = 0) -> dict:
    key = jax.random.key(seed)
    ks = jax.random.split(key, 14)
    x = jax.random.normal(ks[0], (N_NODES, D_FEAT), dtype=jnp.float32)
    edge_index = jax.random.randint(ks[1], (2, N_EDGES), 0, N_NODES, dtype=jnp.int32)
    batch = jnp.zeros((N_NODES,), dtype=jnp.int32)
    def p(k, shape):
        return jax.random.normal(k, shape, dtype=jnp.float32) * 0.05
    return {
        "x": x,
        "edge_index": edge_index,
        "batch": batch,
        "W1": p(ks[2], (D_FEAT, HID)), "b1": p(ks[3], (HID,)),
        "W2": p(ks[4], (HID, HID)),   "b2": p(ks[5], (HID,)),
        "W3": p(ks[6], (HID, HID)),   "b3": p(ks[7], (HID,)),
        "W4": p(ks[8], (HID, OUT)),   "b4": p(ks[9], (OUT,)),
        "Wfc1": p(ks[10], (OUT, 1)),  "bfc1": p(ks[11], (1,)),
        "Wfc2": p(ks[12], (N_NODES, N_CLASSES)), "bfc2": p(ks[13], (N_CLASSES,)),
    }


def reference(x, edge_index, batch, W1, b1, W2, b2, W3, b3, W4, b4, Wfc1, bfc1, Wfc2, bfc2):
    src = edge_index[0]
    dst = edge_index[1]

    def gin_conv(h, Wa, ba, Wb, bb):
        # GINConv: MLP((1 + eps) * h + sum_{j in N(i)} h_j), eps = 0
        agg = jnp.zeros_like(h).at[dst].add(h[src])
        z = h + agg
        z = jax.nn.leaky_relu(z @ Wa + ba, negative_slope=SLOPE)
        return z @ Wb + bb

    h = gin_conv(x, W1, b1, W2, b2)
    h = jax.nn.leaky_relu(h, negative_slope=SLOPE)  # inter-layer act (dropout = eval no-op)
    h = gin_conv(h, W3, b3, W4, b4)

    batch_size = x.shape[0] // batch.shape[0]
    h = h.reshape(batch_size, N_NODES, OUT)
    h = jax.nn.leaky_relu(h, negative_slope=SLOPE) @ Wfc1 + bfc1
    h = h.reshape(batch_size, N_NODES)
    h = jax.nn.leaky_relu(h, negative_slope=SLOPE) @ Wfc2 + bfc2
    return jax.nn.log_softmax(h, axis=1)

if __name__ == "__main__":
    import jax
    _d = setup_inputs()
    print(jax.jit(kernel)(*tuple(_d.values())))

</pallas_src>

<mosaic_0001>
#map = affine_map<(d0, d1) -> (0, 0)>
#map1 = affine_map<(d0, d1) -> (0, 0, 0, 0)>
#map2 = affine_map<(d0, d1) -> (0, 0, 0)>
module attributes {stable_mosaic.version = 14 : i64} {
  func.func @_sc_scatter_body(%arg0: i32, %arg1: i32, %arg2: memref<10000x8xf32, #tpu.memory_space<hbm>>, %arg3: memref<2x32x2x5000xi32, #tpu.memory_space<hbm>>, %arg4: memref<10000x8xf32, #tpu.memory_space<hbm>>, %arg5: memref<2x10000x8xf32, #tpu.memory_space<hbm>>, %arg6: memref<2x5000xi32, #tpu.memory_space<vmem>>, %arg7: memref<2x5000xi32, #tpu.memory_space<vmem>>, %arg8: memref<5000x8xf32, #tpu.memory_space<vmem>>, %arg9: memref<5000x8xf32, #tpu.memory_space<vmem>>, %arg10: memref<10000x8xf32, #tpu.memory_space<vmem_shared>>, %arg11: memref<!tpu.dma_semaphore, #tpu.memory_space<semaphore_mem>>, %arg12: memref<!tpu.dma_semaphore, #tpu.memory_space<semaphore_mem>>) attributes {dimension_semantics = [#tpu.dimension_semantics<core_parallel>, #tpu.dimension_semantics<subcore_parallel>], iteration_bounds = array<i64: 2, 16>, scalar_prefetch = 0 : i64, scratch_operands = 7 : i64, tpu.core_type = #tpu.core_type<sc_vector_subcore>, window_params = [{transform_indices = #map}, {transform_indices = #map1}, {transform_indices = #map}, {transform_indices = #map2}]} {
    %mul3A = arith.constant 16 : i32
    %mul3A_0 = arith.muli %arg0, %mul3A : i32
    %add3A = arith.addi %mul3A_0, %arg1 : i32
    %mul3A_1 = arith.constant 624 : i32
    %mul3A_2 = arith.muli %arg1, %mul3A_1 : i32
    %mul3A_3 = arith.constant 624 : i32
    %mul3A_4 = arith.muli %arg1, %mul3A_3 : i32
    "tpu.region"() ({
      %run_scoped3A_46 = tpu.sem_alloc : memref<!tpu.dma_semaphore, #tpu.memory_space<semaphore_mem>>
      %dma_start3A_47 = arith.constant 0 : i32
      %dma_start3A_48 = tpu.memref_slice %arg10[%mul3A_4, %dma_start3A_47] : memref<10000x8xf32, #tpu.memory_space<vmem_shared>> -> memref<624x8xf32, #tpu.memory_space<vmem_shared>>
      %dma_start3A_49 = arith.constant 0 : i32
      %dma_start3A_50 = tpu.memref_slice %arg4[%mul3A_2, %dma_start3A_49] : memref<10000x8xf32, #tpu.memory_space<hbm>> -> memref<624x8xf32, #tpu.memory_space<hbm>>
      tpu.enqueue_dma source(%dma_start3A_50 : memref<624x8xf32, #tpu.memory_space<hbm>>) target(%dma_start3A_48 : memref<624x8xf32, #tpu.memory_space<vmem_shared>>) target_semaphore(%run_scoped3A_46 : memref<!tpu.dma_semaphore, #tpu.memory_space<semaphore_mem>>)
      %dma_wait3A_51 = arith.constant 0 : i32
      %dma_wait3A_52 = tpu.memref_slice %arg10[%mul3A_4, %dma_wait3A_51] : memref<10000x8xf32, #tpu.memory_space<vmem_shared>> -> memref<624x8xf32, #tpu.memory_space<vmem_shared>>
      %dma_wait3A_53 = arith.constant 0 : i32
      %dma_wait3A_54 = tpu.memref_slice %arg4[%mul3A_2, %dma_wait3A_53] : memref<10000x8xf32, #tpu.memory_space<hbm>> -> memref<624x8xf32, #tpu.memory_space<hbm>>
      tpu.wait_dma2 semaphore(%run_scoped3A_46 : memref<!tpu.dma_semaphore, #tpu.memory_space<semaphore_mem>>) src(%dma_wait3A_54 : memref<624x8xf32, #tpu.memory_space<hbm>>) dst(%dma_wait3A_52 : memref<624x8xf32, #tpu.memory_space<vmem_shared>>)
      tpu.yield
    }) : () -> ()
    %eq3A = arith.constant 15 : i32
    %eq3A_5 = arith.cmpi eq, %arg1, %eq3A : i32
    %convert_element_type3A = arith.extui %eq3A_5 : i1 to i32
    %cond3A = arith.constant 0 : i32
    %cond3A_6 = arith.cmpi ne, %convert_element_type3A, %cond3A : i32
    scf.if %cond3A_6 {
      "tpu.region"() ({
        %run_scoped3A_46 = tpu.sem_alloc : memref<!tpu.dma_semaphore, #tpu.memory_space<semaphore_mem>>
        %dma_start3A_47 = arith.constant 9984 : i32
        %dma_start3A_48 = arith.constant 0 : i32
        %dma_start3A_49 = tpu.memref_slice %arg10[%dma_start3A_47, %dma_start3A_48] : memref<10000x8xf32, #tpu.memory_space<vmem_shared>> -> memref<16x8xf32, #tpu.memory_space<vmem_shared>>
        %dma_start3A_50 = arith.constant 9984 : i32
        %dma_start3A_51 = arith.constant 0 : i32
        %dma_start3A_52 = tpu.memref_slice %arg4[%dma_start3A_50, %dma_start3A_51] : memref<10000x8xf32, #tpu.memory_space<hbm>> -> memref<16x8xf32, #tpu.memory_space<hbm>>
        tpu.enqueue_dma source(%dma_start3A_52 : memref<16x8xf32, #tpu.memory_space<hbm>>) target(%dma_start3A_49 : memref<16x8xf32, #tpu.memory_space<vmem_shared>>) target_semaphore(%run_scoped3A_46 : memref<!tpu.dma_semaphore, #tpu.memory_space<semaphore_mem>>)
        %dma_wait3A_53 = arith.constant 9984 : i32
        %dma_wait3A_54 = arith.constant 0 : i32
        %dma_wait3A_55 = tpu.memref_slice %arg10[%dma_wait3A_53, %dma_wait3A_54] : memref<10000x8xf32, #tpu.memory_space<vmem_shared>> -> memref<16x8xf32, #tpu.memory_space<vmem_shared>>
        %dma_wait3A_56 = arith.constant 9984 : i32
        %dma_wait3A_57 = arith.constant 0 : i32
        %dma_wait3A_58 = tpu.memref_slice %arg4[%dma_wait3A_56, %dma_wait3A_57] : memref<10000x8xf32, #tpu.memory_space<hbm>> -> memref<16x8xf32, #tpu.memory_space<hbm>>
        tpu.wait_dma2 semaphore(%run_scoped3A_46 : memref<!tpu.dma_semaphore, #tpu.memory_space<semaphore_mem>>) src(%dma_wait3A_58 : memref<16x8xf32, #tpu.memory_space<hbm>>) dst(%dma_wait3A_55 : memref<16x8xf32, #tpu.memory_space<vmem_shared>>)
        tpu.yield
      }) : () -> ()
    } else {
    }
    %run_scoped3A = arith.constant 0 : i32
    "tpu.region"() ({
      %run_scoped3A_46 = tpu.sem_alloc : memref<!tpu.dma_semaphore, #tpu.memory_space<semaphore_mem>>
      %dma_start3A_47 = arith.constant 0 : i32
      %dma_start3A_48 = arith.constant 0 : i32
      %dma_start3A_49 = tpu.memref_slice %arg3[%run_scoped3A, %add3A, %dma_start3A_47, %dma_start3A_48] : memref<2x32x2x5000xi32, #tpu.memory_space<hbm>> -> memref<1x1x2x5000xi32, #tpu.memory_space<hbm>>
      %dma_start3A_50 = tpu.memref_squeeze %dma_start3A_49 : memref<1x1x2x5000xi32, #tpu.memory_space<hbm>> -> memref<2x5000xi32, #tpu.memory_space<hbm>>
      %dma_start3A_51 = arith.constant 0 : i32
      %dma_start3A_52 = arith.constant 0 : i32
      %dma_start3A_53 = tpu.memref_slice %arg3[%run_scoped3A, %add3A, %dma_start3A_51, %dma_start3A_52] : memref<2x32x2x5000xi32, #tpu.memory_space<hbm>> -> memref<1x1x2x5000xi32, #tpu.memory_space<hbm>>
      %dma_start3A_54 = tpu.memref_squeeze %dma_start3A_53 : memref<1x1x2x5000xi32, #tpu.memory_space<hbm>> -> memref<2x5000xi32, #tpu.memory_space<hbm>>
      tpu.enqueue_dma source(%dma_start3A_54 : memref<2x5000xi32, #tpu.memory_space<hbm>>) target(%arg6 : memref<2x5000xi32, #tpu.memory_space<vmem>>) target_semaphore(%run_scoped3A_46 : memref<!tpu.dma_semaphore, #tpu.memory_space<semaphore_mem>>)
      %dma_wait3A_55 = arith.constant 0 : i32
      %dma_wait3A_56 = arith.constant 0 : i32
      %dma_wait3A_57 = tpu.memref_slice %arg3[%run_scoped3A, %add3A, %dma_wait3A_55, %dma_wait3A_56] : memref<2x32x2x5000xi32, #tpu.memory_space<hbm>> -> memref<1x1x2x5000xi32, #tpu.memory_space<hbm>>
      %dma_wait3A_58 = tpu.memref_squeeze %dma_wait3A_57 : memref<1x1x2x5000xi32, #tpu.memory_space<hbm>> -> memref<2x5000xi32, #tpu.memory_space<hbm>>
      %dma_wait3A_59 = arith.constant 0 : i32
      %dma_wait3A_60 = arith.constant 0 : i32
      %dma_wait3A_61 = tpu.memref_slice %arg3[%run_scoped3A, %add3A, %dma_wait3A_59, %dma_wait3A_60] : memref<2x32x2x5000xi32, #tpu.memory_space<hbm>> -> memref<1x1x2x5000xi32, #tpu.memory_space<hbm>>
      %dma_wait3A_62 = tpu.memref_squeeze %dma_wait3A_61 : memref<1x1x2x5000xi32, #tpu.memory_space<hbm>> -> memref<2x5000xi32, #tpu.memory_space<hbm>>
      tpu.wait_dma2 semaphore(%run_scoped3A_46 : memref<!tpu.dma_semaphore, #tpu.memory_space<semaphore_mem>>) src(%dma_wait3A_62 : memref<2x5000xi32, #tpu.memory_space<hbm>>) dst(%arg6 : memref<2x5000xi32, #tpu.memory_space<vmem>>)
      tpu.yield
    }) : () -> ()
    %run_scoped3A_7 = arith.constant 1 : i32
    "tpu.region"() ({
      %run_scoped3A_46 = tpu.sem_alloc : memref<!tpu.dma_semaphore, #tpu.memory_space<semaphore_mem>>
      %dma_start3A_47 = arith.constant 0 : i32
      %dma_start3A_48 = arith.constant 0 : i32
      %dma_start3A_49 = tpu.memref_slice %arg3[%run_scoped3A_7, %add3A, %dma_start3A_47, %dma_start3A_48] : memref<2x32x2x5000xi32, #tpu.memory_space<hbm>> -> memref<1x1x2x5000xi32, #tpu.memory_space<hbm>>
      %dma_start3A_50 = tpu.memref_squeeze %dma_start3A_49 : memref<1x1x2x5000xi32, #tpu.memory_space<hbm>> -> memref<2x5000xi32, #tpu.memory_space<hbm>>
      %dma_start3A_51 = arith.constant 0 : i32
      %dma_start3A_52 = arith.constant 0 : i32
      %dma_start3A_53 = tpu.memref_slice %arg3[%run_scoped3A_7, %add3A, %dma_start3A_51, %dma_start3A_52] : memref<2x32x2x5000xi32, #tpu.memory_space<hbm>> -> memref<1x1x2x5000xi32, #tpu.memory_space<hbm>>
      %dma_start3A_54 = tpu.memref_squeeze %dma_start3A_53 : memref<1x1x2x5000xi32, #tpu.memory_space<hbm>> -> memref<2x5000xi32, #tpu.memory_space<hbm>>
      tpu.enqueue_dma source(%dma_start3A_54 : memref<2x5000xi32, #tpu.memory_space<hbm>>) target(%arg7 : memref<2x5000xi32, #tpu.memory_space<vmem>>) target_semaphore(%run_scoped3A_46 : memref<!tpu.dma_semaphore, #tpu.memory_space<semaphore_mem>>)
      %dma_wait3A_55 = arith.constant 0 : i32
      %dma_wait3A_56 = arith.constant 0 : i32
      %dma_wait3A_57 = tpu.memref_slice %arg3[%run_scoped3A_7, %add3A, %dma_wait3A_55, %dma_wait3A_56] : memref<2x32x2x5000xi32, #tpu.memory_space<hbm>> -> memref<1x1x2x5000xi32, #tpu.memory_space<hbm>>
      %dma_wait3A_58 = tpu.memref_squeeze %dma_wait3A_57 : memref<1x1x2x5000xi32, #tpu.memory_space<hbm>> -> memref<2x5000xi32, #tpu.memory_space<hbm>>
      %dma_wait3A_59 = arith.constant 0 : i32
      %dma_wait3A_60 = arith.constant 0 : i32
      %dma_wait3A_61 = tpu.memref_slice %arg3[%run_scoped3A_7, %add3A, %dma_wait3A_59, %dma_wait3A_60] : memref<2x32x2x5000xi32, #tpu.memory_space<hbm>> -> memref<1x1x2x5000xi32, #tpu.memory_space<hbm>>
      %dma_wait3A_62 = tpu.memref_squeeze %dma_wait3A_61 : memref<1x1x2x5000xi32, #tpu.memory_space<hbm>> -> memref<2x5000xi32, #tpu.memory_space<hbm>>
      tpu.wait_dma2 semaphore(%run_scoped3A_46 : memref<!tpu.dma_semaphore, #tpu.memory_space<semaphore_mem>>) src(%dma_wait3A_62 : memref<2x5000xi32, #tpu.memory_space<hbm>>) dst(%arg7 : memref<2x5000xi32, #tpu.memory_space<vmem>>)
      tpu.yield
    }) : () -> ()
    %barrier3A = arith.constant 0 : index
    tpu.barrier barrier_id(%barrier3A)
    %dma_start3A = arith.constant 0 : i32
    %dma_start3A_8 = arith.constant 0 : i32
    %dma_start3A_9 = tpu.memref_slice %arg6[%dma_start3A, %dma_start3A_8] : memref<2x5000xi32, #tpu.memory_space<vmem>> -> memref<1x5000xi32, #tpu.memory_space<vmem>>
    %dma_start3A_10 = tpu.memref_squeeze %dma_start3A_9 : memref<1x5000xi32, #tpu.memory_space<vmem>> -> memref<5000xi32, #tpu.memory_space<vmem>>
    %dma_start3A_11 = arith.constant 0 : i32
    %dma_start3A_12 = arith.constant 0 : i32
    %dma_start3A_13 = tpu.memref_slice %arg2[%dma_start3A_11, %dma_start3A_12] : memref<10000x8xf32, #tpu.memory_space<hbm>> -> memref<10000x8xf32, #tpu.memory_space<hbm>>
    tpu.enqueue_indirect_dma source(%dma_start3A_13 : memref<10000x8xf32, #tpu.memory_space<hbm>>) target(%arg8 : memref<5000x8xf32, #tpu.memory_space<vmem>>) offsets(%dma_start3A_10 : memref<5000xi32, #tpu.memory_space<vmem>>) semaphore(%arg11 : memref<!tpu.dma_semaphore, #tpu.memory_space<semaphore_mem>>)
    %dma_start3A_14 = arith.constant 1 : i32
    %dma_start3A_15 = arith.constant 0 : i32
    %dma_start3A_16 = tpu.memref_slice %arg6[%dma_start3A_14, %dma_start3A_15] : memref<2x5000xi32, #tpu.memory_space<vmem>> -> memref<1x5000xi32, #tpu.memory_space<vmem>>
    %dma_start3A_17 = tpu.memref_squeeze %dma_start3A_16 : memref<1x5000xi32, #tpu.memory_space<vmem>> -> memref<5000xi32, #tpu.memory_space<vmem>>
    %dma_start3A_18 = arith.constant 0 : i32
    %dma_start3A_19 = arith.constant 0 : i32
    %dma_start3A_20 = tpu.memref_slice %arg2[%dma_start3A_18, %dma_start3A_19] : memref<10000x8xf32, #tpu.memory_space<hbm>> -> memref<10000x8xf32, #tpu.memory_space<hbm>>
    tpu.enqueue_indirect_dma source(%dma_start3A_20 : memref<10000x8xf32, #tpu.memory_space<hbm>>) target(%arg9 : memref<5000x8xf32, #tpu.memory_space<vmem>>) offsets(%dma_start3A_17 : memref<5000xi32, #tpu.memory_space<vmem>>) semaphore(%arg12 : memref<!tpu.dma_semaphore, #tpu.memory_space<semaphore_mem>>)
    %dma_wait3A = arith.constant 0 : i32
    %dma_wait3A_21 = arith.constant 0 : i32
    %dma_wait3A_22 = tpu.memref_slice %arg6[%dma_wait3A, %dma_wait3A_21] : memref<2x5000xi32, #tpu.memory_space<vmem>> -> memref<1x5000xi32, #tpu.memory_space<vmem>>
    %dma_wait3A_23 = tpu.memref_squeeze %dma_wait3A_22 : memref<1x5000xi32, #tpu.memory_space<vmem>> -> memref<5000xi32, #tpu.memory_space<vmem>>
    %dma_wait3A_24 = arith.constant 0 : i32
    %dma_wait3A_25 = arith.constant 0 : i32
    %dma_wait3A_26 = tpu.memref_slice %arg2[%dma_wait3A_24, %dma_wait3A_25] : memref<10000x8xf32, #tpu.memory_space<hbm>> -> memref<10000x8xf32, #tpu.memory_space<hbm>>
    tpu.wait_indirect_dma semaphore(%arg11 : memref<!tpu.dma_semaphore, #tpu.memory_space<semaphore_mem>>) src(%dma_wait3A_26 : memref<10000x8xf32, #tpu.memory_space<hbm>>) dst(%arg8 : memref<5000x8xf32, #tpu.memory_space<vmem>>)
    %run_scoped3A_27 = arith.constant 0 : i32
    "tpu.region"() ({
      %run_scoped3A_46 = tpu.sem_alloc : memref<!tpu.dma_semaphore, #tpu.memory_space<semaphore_mem>>
      %dma_start3A_47 = arith.constant 0 : i32
      %dma_start3A_48 = tpu.memref_slice %arg7[%run_scoped3A_27, %dma_start3A_47] : memref<2x5000xi32, #tpu.memory_space<vmem>> -> memref<1x5000xi32, #tpu.memory_space<vmem>>
      %dma_start3A_49 = tpu.memref_squeeze %dma_start3A_48 : memref<1x5000xi32, #tpu.memory_space<vmem>> -> memref<5000xi32, #tpu.memory_space<vmem>>
      %dma_start3A_50 = arith.constant 0 : i32
      %dma_start3A_51 = arith.constant 0 : i32
      %dma_start3A_52 = tpu.memref_slice %arg10[%dma_start3A_50, %dma_start3A_51] : memref<10000x8xf32, #tpu.memory_space<vmem_shared>> -> memref<10000x8xf32, #tpu.memory_space<vmem_shared>>
      tpu.enqueue_indirect_dma source(%arg8 : memref<5000x8xf32, #tpu.memory_space<vmem>>) target(%dma_start3A_52 : memref<10000x8xf32, #tpu.memory_space<vmem_shared>>) offsets(%dma_start3A_49 : memref<5000xi32, #tpu.memory_space<vmem>>) semaphore(%run_scoped3A_46 : memref<!tpu.dma_semaphore, #tpu.memory_space<semaphore_mem>>) {add = true}
      %dma_wait3A_53 = arith.constant 0 : i32
      %dma_wait3A_54 = tpu.memref_slice %arg7[%run_scoped3A_27, %dma_wait3A_53] : memref<2x5000xi32, #tpu.memory_space<vmem>> -> memref<1x5000xi32, #tpu.memory_space<vmem>>
      %dma_wait3A_55 = tpu.memref_squeeze %dma_wait3A_54 : memref<1x5000xi32, #tpu.memory_space<vmem>> -> memref<5000xi32, #tpu.memory_space<vmem>>
      %dma_wait3A_56 = arith.constant 0 : i32
      %dma_wait3A_57 = arith.constant 0 : i32
      %dma_wait3A_58 = tpu.memref_slice %arg10[%dma_wait3A_56, %dma_wait3A_57] : memref<10000x8xf32, #tpu.memory_space<vmem_shared>> -> memref<10000x8xf32, #tpu.memory_space<vmem_shared>>
      tpu.wait_indirect_dma semaphore(%run_scoped3A_46 : memref<!tpu.dma_semaphore, #tpu.memory_space<semaphore_mem>>) src(%arg8 : memref<5000x8xf32, #tpu.memory_space<vmem>>) dst(%dma_wait3A_58 : memref<10000x8xf32, #tpu.memory_space<vmem_shared>>)
      tpu.yield
    }) : () -> ()
    %dma_wait3A_28 = arith.constant 1 : i32
    %dma_wait3A_29 = arith.constant 0 : i32
    %dma_wait3A_30 = tpu.memref_slice %arg6[%dma_wait3A_28, %dma_wait3A_29] : memref<2x5000xi32, #tpu.memory_space<vmem>> -> memref<1x5000xi32, #tpu.memory_space<vmem>>
    %dma_wait3A_31 = tpu.memref_squeeze %dma_wait3A_30 : memref<1x5000xi32, #tpu.memory_space<vmem>> -> memref<5000xi32, #tpu.memory_space<vmem>>
    %dma_wait3A_32 = arith.constant 0 : i32
    %dma_wait3A_33 = arith.constant 0 : i32
    %dma_wait3A_34 = tpu.memref_slice %arg2[%dma_wait3A_32, %dma_wait3A_33] : memref<10000x8xf32, #tpu.memory_space<hbm>> -> memref<10000x8xf32, #tpu.memory_space<hbm>>
    tpu.wait_indirect_dma semaphore(%arg12 : memref<!tpu.dma_semaphore, #tpu.memory_space<semaphore_mem>>) src(%dma_wait3A_34 : memref<10000x8xf32, #tpu.memory_space<hbm>>) dst(%arg9 : memref<5000x8xf32, #tpu.memory_space<vmem>>)
    %run_scoped3A_35 = arith.constant 1 : i32
    "tpu.region"() ({
      %run_scoped3A_46 = tpu.sem_alloc : memref<!tpu.dma_semaphore, #tpu.memory_space<semaphore_mem>>
      %dma_start3A_47 = arith.constant 0 : i32
      %dma_start3A_48 = tpu.memref_slice %arg7[%run_scoped3A_35, %dma_start3A_47] : memref<2x5000xi32, #tpu.memory_space<vmem>> -> memref<1x5000xi32, #tpu.memory_space<vmem>>
      %dma_start3A_49 = tpu.memref_squeeze %dma_start3A_48 : memref<1x5000xi32, #tpu.memory_space<vmem>> -> memref<5000xi32, #tpu.memory_space<vmem>>
      %dma_start3A_50 = arith.constant 0 : i32
      %dma_start3A_51 = arith.constant 0 : i32
      %dma_start3A_52 = tpu.memref_slice %arg10[%dma_start3A_50, %dma_start3A_51] : memref<10000x8xf32, #tpu.memory_space<vmem_shared>> -> memref<10000x8xf32, #tpu.memory_space<vmem_shared>>
      tpu.enqueue_indirect_dma source(%arg9 : memref<5000x8xf32, #tpu.memory_space<vmem>>) target(%dma_start3A_52 : memref<10000x8xf32, #tpu.memory_space<vmem_shared>>) offsets(%dma_start3A_49 : memref<5000xi32, #tpu.memory_space<vmem>>) semaphore(%run_scoped3A_46 : memref<!tpu.dma_semaphore, #tpu.memory_space<semaphore_mem>>) {add = true}
      %dma_wait3A_53 = arith.constant 0 : i32
      %dma_wait3A_54 = tpu.memref_slice %arg7[%run_scoped3A_35, %dma_wait3A_53] : memref<2x5000xi32, #tpu.memory_space<vmem>> -> memref<1x5000xi32, #tpu.memory_space<vmem>>
      %dma_wait3A_55 = tpu.memref_squeeze %dma_wait3A_54 : memref<1x5000xi32, #tpu.memory_space<vmem>> -> memref<5000xi32, #tpu.memory_space<vmem>>
      %dma_wait3A_56 = arith.constant 0 : i32
      %dma_wait3A_57 = arith.constant 0 : i32
      %dma_wait3A_58 = tpu.memref_slice %arg10[%dma_wait3A_56, %dma_wait3A_57] : memref<10000x8xf32, #tpu.memory_space<vmem_shared>> -> memref<10000x8xf32, #tpu.memory_space<vmem_shared>>
      tpu.wait_indirect_dma semaphore(%run_scoped3A_46 : memref<!tpu.dma_semaphore, #tpu.memory_space<semaphore_mem>>) src(%arg9 : memref<5000x8xf32, #tpu.memory_space<vmem>>) dst(%dma_wait3A_58 : memref<10000x8xf32, #tpu.memory_space<vmem_shared>>)
      tpu.yield
    }) : () -> ()
    %barrier3A_36 = arith.constant 0 : index
    tpu.barrier barrier_id(%barrier3A_36)
    %mul3A_37 = arith.constant 624 : i32
    %mul3A_38 = arith.muli %arg1, %mul3A_37 : i32
    %mul3A_39 = arith.constant 624 : i32
    %mul3A_40 = arith.muli %arg1, %mul3A_39 : i32
    "tpu.region"() ({
      %run_scoped3A_46 = tpu.sem_alloc : memref<!tpu.dma_semaphore, #tpu.memory_space<semaphore_mem>>
      %dma_start3A_47 = arith.constant 0 : i32
      %dma_start3A_48 = tpu.memref_slice %arg5[%arg0, %mul3A_40, %dma_start3A_47] : memref<2x10000x8xf32, #tpu.memory_space<hbm>> -> memref<1x624x8xf32, #tpu.memory_space<hbm>>
      %dma_start3A_49 = tpu.memref_squeeze %dma_start3A_48 : memref<1x624x8xf32, #tpu.memory_space<hbm>> -> memref<624x8xf32, #tpu.memory_space<hbm>>
      %dma_start3A_50 = arith.constant 0 : i32
      %dma_start3A_51 = tpu.memref_slice %arg10[%mul3A_38, %dma_start3A_50] : memref<10000x8xf32, #tpu.memory_space<vmem_shared>> -> memref<624x8xf32, #tpu.memory_space<vmem_shared>>
      tpu.enqueue_dma source(%dma_start3A_51 : memref<624x8xf32, #tpu.memory_space<vmem_shared>>) target(%dma_start3A_49 : memref<624x8xf32, #tpu.memory_space<hbm>>) target_semaphore(%run_scoped3A_46 : memref<!tpu.dma_semaphore, #tpu.memory_space<semaphore_mem>>)
      %dma_wait3A_52 = arith.constant 0 : i32
      %dma_wait3A_53 = tpu.memref_slice %arg5[%arg0, %mul3A_40, %dma_wait3A_52] : memref<2x10000x8xf32, #tpu.memory_space<hbm>> -> memref<1x624x8xf32, #tpu.memory_space<hbm>>
      %dma_wait3A_54 = tpu.memref_squeeze %dma_wait3A_53 : memref<1x624x8xf32, #tpu.memory_space<hbm>> -> memref<624x8xf32, #tpu.memory_space<hbm>>
      %dma_wait3A_55 = arith.constant 0 : i32
      %dma_wait3A_56 = tpu.memref_slice %arg10[%mul3A_38, %dma_wait3A_55] : memref<10000x8xf32, #tpu.memory_space<vmem_shared>> -> memref<624x8xf32, #tpu.memory_space<vmem_shared>>
      tpu.wait_dma2 semaphore(%run_scoped3A_46 : memref<!tpu.dma_semaphore, #tpu.memory_space<semaphore_mem>>) src(%dma_wait3A_56 : memref<624x8xf32, #tpu.memory_space<vmem_shared>>) dst(%dma_wait3A_54 : memref<624x8xf32, #tpu.memory_space<hbm>>)
      tpu.yield
    }) : () -> ()
    %eq3A_41 = arith.constant 15 : i32
    %eq3A_42 = arith.cmpi eq, %arg1, %eq3A_41 : i32
    %convert_element_type3A_43 = arith.extui %eq3A_42 : i1 to i32
    %cond3A_44 = arith.constant 0 : i32
    %cond3A_45 = arith.cmpi ne, %convert_element_type3A_43, %cond3A_44 : i32
    scf.if %cond3A_45 {
      "tpu.region"() ({
        %run_scoped3A_46 = tpu.sem_alloc : memref<!tpu.dma_semaphore, #tpu.memory_space<semaphore_mem>>
        %dma_start3A_47 = arith.constant 9984 : i32
        %dma_start3A_48 = arith.constant 0 : i32
        %dma_start3A_49 = tpu.memref_slice %arg5[%arg0, %dma_start3A_47, %dma_start3A_48] : memref<2x10000x8xf32, #tpu.memory_space<hbm>> -> memref<1x16x8xf32, #tpu.memory_space<hbm>>
        %dma_start3A_50 = tpu.memref_squeeze %dma_start3A_49 : memref<1x16x8xf32, #tpu.memory_space<hbm>> -> memref<16x8xf32, #tpu.memory_space<hbm>>
        %dma_start3A_51 = arith.constant 9984 : i32
        %dma_start3A_52 = arith.constant 0 : i32
        %dma_start3A_53 = tpu.memref_slice %arg10[%dma_start3A_51, %dma_start3A_52] : memref<10000x8xf32, #tpu.memory_space<vmem_shared>> -> memref<16x8xf32, #tpu.memory_space<vmem_shared>>
        tpu.enqueue_dma source(%dma_start3A_53 : memref<16x8xf32, #tpu.memory_space<vmem_shared>>) target(%dma_start3A_50 : memref<16x8xf32, #tpu.memory_space<hbm>>) target_semaphore(%run_scoped3A_46 : memref<!tpu.dma_semaphore, #tpu.memory_space<semaphore_mem>>)
        %dma_wait3A_54 = arith.constant 9984 : i32
        %dma_wait3A_55 = arith.constant 0 : i32
        %dma_wait3A_56 = tpu.memref_slice %arg5[%arg0, %dma_wait3A_54, %dma_wait3A_55] : memref<2x10000x8xf32, #tpu.memory_space<hbm>> -> memref<1x16x8xf32, #tpu.memory_space<hbm>>
        %dma_wait3A_57 = tpu.memref_squeeze %dma_wait3A_56 : memref<1x16x8xf32, #tpu.memory_space<hbm>> -> memref<16x8xf32, #tpu.memory_space<hbm>>
        %dma_wait3A_58 = arith.constant 9984 : i32
        %dma_wait3A_59 = arith.constant 0 : i32
        %dma_wait3A_60 = tpu.memref_slice %arg10[%dma_wait3A_58, %dma_wait3A_59] : memref<10000x8xf32, #tpu.memory_space<vmem_shared>> -> memref<16x8xf32, #tpu.memory_space<vmem_shared>>
        tpu.wait_dma2 semaphore(%run_scoped3A_46 : memref<!tpu.dma_semaphore, #tpu.memory_space<semaphore_mem>>) src(%dma_wait3A_60 : memref<16x8xf32, #tpu.memory_space<vmem_shared>>) dst(%dma_wait3A_57 : memref<16x8xf32, #tpu.memory_space<hbm>>)
        tpu.yield
      }) : () -> ()
    } else {
    }
    return
  }
}

#map = affine_map<(d0, d1) -> (0, 0)>
#map1 = affine_map<(d0, d1) -> (0, 0, 0, 0)>
#map2 = affine_map<(d0, d1) -> (0, 0, 0)>
module attributes {stable_mosaic.version = 14 : i64} {
  func.func @_sc_scatter_body(%arg0: i32, %arg1: i32, %arg2: memref<10000x8xf32, #tpu.memory_space<hbm>>, %arg3: memref<2x32x2x5000xi32, #tpu.memory_space<hbm>>, %arg4: memref<10000x8xf32, #tpu.memory_space<hbm>>, %arg5: memref<2x10000x8xf32, #tpu.memory_space<hbm>>, %arg6: memref<2x5000xi32, #tpu.memory_space<vmem>>, %arg7: memref<2x5000xi32, #tpu.memory_space<vmem>>, %arg8: memref<5000x8xf32, #tpu.memory_space<vmem>>, %arg9: memref<5000x8xf32, #tpu.memory_space<vmem>>, %arg10: memref<10000x8xf32, #tpu.memory_space<vmem_shared>>, %arg11: memref<!tpu.dma_semaphore, #tpu.memory_space<semaphore_mem>>, %arg12: memref<!tpu.dma_semaphore, #tpu.memory_space<semaphore_mem>>) attributes {dimension_semantics = [#tpu.dimension_semantics<core_parallel>, #tpu.dimension_semantics<subcore_parallel>], iteration_bounds = array<i64: 2, 16>, scalar_prefetch = 0 : i64, scratch_operands = 7 : i64, tpu.core_type = #tpu.core_type<sc_vector_subcore>, window_params = [{transform_indices = #map}, {transform_indices = #map1}, {transform_indices = #map}, {transform_indices = #map2}]} {
    %mul3A = arith.constant 16 : i32
    %mul3A_0 = arith.muli %arg0, %mul3A : i32
    %add3A = arith.addi %mul3A_0, %arg1 : i32
    %mul3A_1 = arith.constant 624 : i32
    %mul3A_2 = arith.muli %arg1, %mul3A_1 : i32
    %mul3A_3 = arith.constant 624 : i32
    %mul3A_4 = arith.muli %arg1, %mul3A_3 : i32
    "tpu.region"() ({
      %run_scoped3A_46 = tpu.sem_alloc : memref<!tpu.dma_semaphore, #tpu.memory_space<semaphore_mem>>
      %dma_start3A_47 = arith.constant 0 : i32
      %dma_start3A_48 = tpu.memref_slice %arg10[%mul3A_4, %dma_start3A_47] : memref<10000x8xf32, #tpu.memory_space<vmem_shared>> -> memref<624x8xf32, #tpu.memory_space<vmem_shared>>
      %dma_start3A_49 = arith.constant 0 : i32
      %dma_start3A_50 = tpu.memref_slice %arg4[%mul3A_2, %dma_start3A_49] : memref<10000x8xf32, #tpu.memory_space<hbm>> -> memref<624x8xf32, #tpu.memory_space<hbm>>
      tpu.enqueue_dma source(%dma_start3A_50 : memref<624x8xf32, #tpu.memory_space<hbm>>) target(%dma_start3A_48 : memref<624x8xf32, #tpu.memory_space<vmem_shared>>) target_semaphore(%run_scoped3A_46 : memref<!tpu.dma_semaphore, #tpu.memory_space<semaphore_mem>>)
      %dma_wait3A_51 = arith.constant 0 : i32
      %dma_wait3A_52 = tpu.memref_slice %arg10[%mul3A_4, %dma_wait3A_51] : memref<10000x8xf32, #tpu.memory_space<vmem_shared>> -> memref<624x8xf32, #tpu.memory_space<vmem_shared>>
      %dma_wait3A_53 = arith.constant 0 : i32
      %dma_wait3A_54 = tpu.memref_slice %arg4[%mul3A_2, %dma_wait3A_53] : memref<10000x8xf32, #tpu.memory_space<hbm>> -> memref<624x8xf32, #tpu.memory_space<hbm>>
      tpu.wait_dma2 semaphore(%run_scoped3A_46 : memref<!tpu.dma_semaphore, #tpu.memory_space<semaphore_mem>>) src(%dma_wait3A_54 : memref<624x8xf32, #tpu.memory_space<hbm>>) dst(%dma_wait3A_52 : memref<624x8xf32, #tpu.memory_space<vmem_shared>>)
      tpu.yield
    }) : () -> ()
    %eq3A = arith.constant 15 : i32
    %eq3A_5 = arith.cmpi eq, %arg1, %eq3A : i32
    %convert_element_type3A = arith.extui %eq3A_5 : i1 to i32
    %cond3A = arith.constant 0 : i32
    %cond3A_6 = arith.cmpi ne, %convert_element_type3A, %cond3A : i32
    scf.if %cond3A_6 {
      "tpu.region"() ({
        %run_scoped3A_46 = tpu.sem_alloc : memref<!tpu.dma_semaphore, #tpu.memory_space<semaphore_mem>>
        %dma_start3A_47 = arith.constant 9984 : i32
        %dma_start3A_48 = arith.constant 0 : i32
        %dma_start3A_49 = tpu.memref_slice %arg10[%dma_start3A_47, %dma_start3A_48] : memref<10000x8xf32, #tpu.memory_space<vmem_shared>> -> memref<16x8xf32, #tpu.memory_space<vmem_shared>>
        %dma_start3A_50 = arith.constant 9984 : i32
        %dma_start3A_51 = arith.constant 0 : i32
        %dma_start3A_52 = tpu.memref_slice %arg4[%dma_start3A_50, %dma_start3A_51] : memref<10000x8xf32, #tpu.memory_space<hbm>> -> memref<16x8xf32, #tpu.memory_space<hbm>>
        tpu.enqueue_dma source(%dma_start3A_52 : memref<16x8xf32, #tpu.memory_space<hbm>>) target(%dma_start3A_49 : memref<16x8xf32, #tpu.memory_space<vmem_shared>>) target_semaphore(%run_scoped3A_46 : memref<!tpu.dma_semaphore, #tpu.memory_space<semaphore_mem>>)
        %dma_wait3A_53 = arith.constant 9984 : i32
        %dma_wait3A_54 = arith.constant 0 : i32
        %dma_wait3A_55 = tpu.memref_slice %arg10[%dma_wait3A_53, %dma_wait3A_54] : memref<10000x8xf32, #tpu.memory_space<vmem_shared>> -> memref<16x8xf32, #tpu.memory_space<vmem_shared>>
        %dma_wait3A_56 = arith.constant 9984 : i32
        %dma_wait3A_57 = arith.constant 0 : i32
        %dma_wait3A_58 = tpu.memref_slice %arg4[%dma_wait3A_56, %dma_wait3A_57] : memref<10000x8xf32, #tpu.memory_space<hbm>> -> memref<16x8xf32, #tpu.memory_space<hbm>>
        tpu.wait_dma2 semaphore(%run_scoped3A_46 : memref<!tpu.dma_semaphore, #tpu.memory_space<semaphore_mem>>) src(%dma_wait3A_58 : memref<16x8xf32, #tpu.memory_space<hbm>>) dst(%dma_wait3A_55 : memref<16x8xf32, #tpu.memory_space<vmem_shared>>)
        tpu.yield
      }) : () -> ()
    } else {
    }
    %run_scoped3A = arith.constant 0 : i32
    "tpu.region"() ({
      %run_scoped3A_46 = tpu.sem_alloc : memref<!tpu.dma_semaphore, #tpu.memory_space<semaphore_mem>>
      %dma_start3A_47 = arith.constant 0 : i32
      %dma_start3A_48 = arith.constant 0 : i32
      %dma_start3A_49 = tpu.memref_slice %arg3[%run_scoped3A, %add3A, %dma_start3A_47, %dma_start3A_48] : memref<2x32x2x5000xi32, #tpu.memory_space<hbm>> -> memref<1x1x2x5000xi32, #tpu.memory_space<hbm>>
      %dma_start3A_50 = tpu.memref_squeeze %dma_start3A_49 : memref<1x1x2x5000xi32, #tpu.memory_space<hbm>> -> memref<2x5000xi32, #tpu.memory_space<hbm>>
      %dma_start3A_51 = arith.constant 0 : i32
      %dma_start3A_52 = arith.constant 0 : i32
      %dma_start3A_53 = tpu.memref_slice %arg3[%run_scoped3A, %add3A, %dma_start3A_51, %dma_start3A_52] : memref<2x32x2x5000xi32, #tpu.memory_space<hbm>> -> memref<1x1x2x5000xi32, #tpu.memory_space<hbm>>
      %dma_start3A_54 = tpu.memref_squeeze %dma_start3A_53 : memref<1x1x2x5000xi32, #tpu.memory_space<hbm>> -> memref<2x5000xi32, #tpu.memory_space<hbm>>
      tpu.enqueue_dma source(%dma_start3A_54 : memref<2x5000xi32, #tpu.memory_space<hbm>>) target(%arg6 : memref<2x5000xi32, #tpu.memory_space<vmem>>) target_semaphore(%run_scoped3A_46 : memref<!tpu.dma_semaphore, #tpu.memory_space<semaphore_mem>>)
      %dma_wait3A_55 = arith.constant 0 : i32
      %dma_wait3A_56 = arith.constant 0 : i32
      %dma_wait3A_57 = tpu.memref_slice %arg3[%run_scoped3A, %add3A, %dma_wait3A_55, %dma_wait3A_56] : memref<2x32x2x5000xi32, #tpu.memory_space<hbm>> -> memref<1x1x2x5000xi32, #tpu.memory_space<hbm>>
      %dma_wait3A_58 = tpu.memref_squeeze %dma_wait3A_57 : memref<1x1x2x5000xi32, #tpu.memory_space<hbm>> -> memref<2x5000xi32, #tpu.memory_space<hbm>>
      %dma_wait3A_59 = arith.constant 0 : i32
      %dma_wait3A_60 = arith.constant 0 : i32
      %dma_wait3A_61 = tpu.memref_slice %arg3[%run_scoped3A, %add3A, %dma_wait3A_59, %dma_wait3A_60] : memref<2x32x2x5000xi32, #tpu.memory_space<hbm>> -> memref<1x1x2x5000xi32, #tpu.memory_space<hbm>>
      %dma_wait3A_62 = tpu.memref_squeeze %dma_wait3A_61 : memref<1x1x2x5000xi32, #tpu.memory_space<hbm>> -> memref<2x5000xi32, #tpu.memory_space<hbm>>
      tpu.wait_dma2 semaphore(%run_scoped3A_46 : memref<!tpu.dma_semaphore, #tpu.memory_space<semaphore_mem>>) src(%dma_wait3A_62 : memref<2x5000xi32, #tpu.memory_space<hbm>>) dst(%arg6 : memref<2x5000xi32, #tpu.memory_space<vmem>>)
      tpu.yield
    }) : () -> ()
    %run_scoped3A_7 = arith.constant 1 : i32
    "tpu.region"() ({
      %run_scoped3A_46 = tpu.sem_alloc : memref<!tpu.dma_semaphore, #tpu.memory_space<semaphore_mem>>
      %dma_start3A_47 = arith.constant 0 : i32
      %dma_start3A_48 = arith.constant 0 : i32
      %dma_start3A_49 = tpu.memref_slice %arg3[%run_scoped3A_7, %add3A, %dma_start3A_47, %dma_start3A_48] : memref<2x32x2x5000xi32, #tpu.memory_space<hbm>> -> memref<1x1x2x5000xi32, #tpu.memory_space<hbm>>
      %dma_start3A_50 = tpu.memref_squeeze %dma_start3A_49 : memref<1x1x2x5000xi32, #tpu.memory_space<hbm>> -> memref<2x5000xi32, #tpu.memory_space<hbm>>
      %dma_start3A_51 = arith.constant 0 : i32
      %dma_start3A_52 = arith.constant 0 : i32
      %dma_start3A_53 = tpu.memref_slice %arg3[%run_scoped3A_7, %add3A, %dma_start3A_51, %dma_start3A_52] : memref<2x32x2x5000xi32, #tpu.memory_space<hbm>> -> memref<1x1x2x5000xi32, #tpu.memory_space<hbm>>
      %dma_start3A_54 = tpu.memref_squeeze %dma_start3A_53 : memref<1x1x2x5000xi32, #tpu.memory_space<hbm>> -> memref<2x5000xi32, #tpu.memory_space<hbm>>
      tpu.enqueue_dma source(%dma_start3A_54 : memref<2x5000xi32, #tpu.memory_space<hbm>>) target(%arg7 : memref<2x5000xi32, #tpu.memory_space<vmem>>) target_semaphore(%run_scoped3A_46 : memref<!tpu.dma_semaphore, #tpu.memory_space<semaphore_mem>>)
      %dma_wait3A_55 = arith.constant 0 : i32
      %dma_wait3A_56 = arith.constant 0 : i32
      %dma_wait3A_57 = tpu.memref_slice %arg3[%run_scoped3A_7, %add3A, %dma_wait3A_55, %dma_wait3A_56] : memref<2x32x2x5000xi32, #tpu.memory_space<hbm>> -> memref<1x1x2x5000xi32, #tpu.memory_space<hbm>>
      %dma_wait3A_58 = tpu.memref_squeeze %dma_wait3A_57 : memref<1x1x2x5000xi32, #tpu.memory_space<hbm>> -> memref<2x5000xi32, #tpu.memory_space<hbm>>
      %dma_wait3A_59 = arith.constant 0 : i32
      %dma_wait3A_60 = arith.constant 0 : i32
      %dma_wait3A_61 = tpu.memref_slice %arg3[%run_scoped3A_7, %add3A, %dma_wait3A_59, %dma_wait3A_60] : memref<2x32x2x5000xi32, #tpu.memory_space<hbm>> -> memref<1x1x2x5000xi32, #tpu.memory_space<hbm>>
      %dma_wait3A_62 = tpu.memref_squeeze %dma_wait3A_61 : memref<1x1x2x5000xi32, #tpu.memory_space<hbm>> -> memref<2x5000xi32, #tpu.memory_space<hbm>>
      tpu.wait_dma2 semaphore(%run_scoped3A_46 : memref<!tpu.dma_semaphore, #tpu.memory_space<semaphore_mem>>) src(%dma_wait3A_62 : memref<2x5000xi32, #tpu.memory_space<hbm>>) dst(%arg7 : memref<2x5000xi32, #tpu.memory_space<vmem>>)
      tpu.yield
    }) : () -> ()
    %barrier3A = arith.constant 0 : index
    tpu.barrier barrier_id(%barrier3A)
    %dma_start3A = arith.constant 0 : i32
    %dma_start3A_8 = arith.constant 0 : i32
    %dma_start3A_9 = tpu.memref_slice %arg6[%dma_start3A, %dma_start3A_8] : memref<2x5000xi32, #tpu.memory_space<vmem>> -> memref<1x5000xi32, #tpu.memory_space<vmem>>
    %dma_start3A_10 = tpu.memref_squeeze %dma_start3A_9 : memref<1x5000xi32, #tpu.memory_space<vmem>> -> memref<5000xi32, #tpu.memory_space<vmem>>
    %dma_start3A_11 = arith.constant 0 : i32
    %dma_start3A_12 = arith.constant 0 : i32
    %dma_start3A_13 = tpu.memref_slice %arg2[%dma_start3A_11, %dma_start3A_12] : memref<10000x8xf32, #tpu.memory_space<hbm>> -> memref<10000x8xf32, #tpu.memory_space<hbm>>
    tpu.enqueue_indirect_dma source(%dma_start3A_13 : memref<10000x8xf32, #tpu.memory_space<hbm>>) target(%arg8 : memref<5000x8xf32, #tpu.memory_space<vmem>>) offsets(%dma_start3A_10 : memref<5000xi32, #tpu.memory_space<vmem>>) semaphore(%arg11 : memref<!tpu.dma_semaphore, #tpu.memory_space<semaphore_mem>>)
    %dma_start3A_14 = arith.constant 1 : i32
    %dma_start3A_15 = arith.constant 0 : i32
    %dma_start3A_16 = tpu.memref_slice %arg6[%dma_start3A_14, %dma_start3A_15] : memref<2x5000xi32, #tpu.memory_space<vmem>> -> memref<1x5000xi32, #tpu.memory_space<vmem>>
    %dma_start3A_17 = tpu.memref_squeeze %dma_start3A_16 : memref<1x5000xi32, #tpu.memory_space<vmem>> -> memref<5000xi32, #tpu.memory_space<vmem>>
    %dma_start3A_18 = arith.constant 0 : i32
    %dma_start3A_19 = arith.constant 0 : i32
    %dma_start3A_20 = tpu.memref_slice %arg2[%dma_start3A_18, %dma_start3A_19] : memref<10000x8xf32, #tpu.memory_space<hbm>> -> memref<10000x8xf32, #tpu.memory_space<hbm>>
    tpu.enqueue_indirect_dma source(%dma_start3A_20 : memref<10000x8xf32, #tpu.memory_space<hbm>>) target(%arg9 : memref<5000x8xf32, #tpu.memory_space<vmem>>) offsets(%dma_start3A_17 : memref<5000xi32, #tpu.memory_space<vmem>>) semaphore(%arg12 : memref<!tpu.dma_semaphore, #tpu.memory_space<semaphore_mem>>)
    %dma_wait3A = arith.constant 0 : i32
    %dma_wait3A_21 = arith.constant 0 : i32
    %dma_wait3A_22 = tpu.memref_slice %arg6[%dma_wait3A, %dma_wait3A_21] : memref<2x5000xi32, #tpu.memory_space<vmem>> -> memref<1x5000xi32, #tpu.memory_space<vmem>>
    %dma_wait3A_23 = tpu.memref_squeeze %dma_wait3A_22 : memref<1x5000xi32, #tpu.memory_space<vmem>> -> memref<5000xi32, #tpu.memory_space<vmem>>
    %dma_wait3A_24 = arith.constant 0 : i32
    %dma_wait3A_25 = arith.constant 0 : i32
    %dma_wait3A_26 = tpu.memref_slice %arg2[%dma_wait3A_24, %dma_wait3A_25] : memref<10000x8xf32, #tpu.memory_space<hbm>> -> memref<10000x8xf32, #tpu.memory_space<hbm>>
    tpu.wait_indirect_dma semaphore(%arg11 : memref<!tpu.dma_semaphore, #tpu.memory_space<semaphore_mem>>) src(%dma_wait3A_26 : memref<10000x8xf32, #tpu.memory_space<hbm>>) dst(%arg8 : memref<5000x8xf32, #tpu.memory_space<vmem>>)
    %run_scoped3A_27 = arith.constant 0 : i32
    "tpu.region"() ({
      %run_scoped3A_46 = tpu.sem_alloc : memref<!tpu.dma_semaphore, #tpu.memory_space<semaphore_mem>>
      %dma_start3A_47 = arith.constant 0 : i32
      %dma_start3A_48 = tpu.memref_slice %arg7[%run_scoped3A_27, %dma_start3A_47] : memref<2x5000xi32, #tpu.memory_space<vmem>> -> memref<1x5000xi32, #tpu.memory_space<vmem>>
      %dma_start3A_49 = tpu.memref_squeeze %dma_start3A_48 : memref<1x5000xi32, #tpu.memory_space<vmem>> -> memref<5000xi32, #tpu.memory_space<vmem>>
      %dma_start3A_50 = arith.constant 0 : i32
      %dma_start3A_51 = arith.constant 0 : i32
      %dma_start3A_52 = tpu.memref_slice %arg10[%dma_start3A_50, %dma_start3A_51] : memref<10000x8xf32, #tpu.memory_space<vmem_shared>> -> memref<10000x8xf32, #tpu.memory_space<vmem_shared>>
      tpu.enqueue_indirect_dma source(%arg8 : memref<5000x8xf32, #tpu.memory_space<vmem>>) target(%dma_start3A_52 : memref<10000x8xf32, #tpu.memory_space<vmem_shared>>) offsets(%dma_start3A_49 : memref<5000xi32, #tpu.memory_space<vmem>>) semaphore(%run_scoped3A_46 : memref<!tpu.dma_semaphore, #tpu.memory_space<semaphore_mem>>) {add = true}
      %dma_wait3A_53 = arith.constant 0 : i32
      %dma_wait3A_54 = tpu.memref_slice %arg7[%run_scoped3A_27, %dma_wait3A_53] : memref<2x5000xi32, #tpu.memory_space<vmem>> -> memref<1x5000xi32, #tpu.memory_space<vmem>>
      %dma_wait3A_55 = tpu.memref_squeeze %dma_wait3A_54 : memref<1x5000xi32, #tpu.memory_space<vmem>> -> memref<5000xi32, #tpu.memory_space<vmem>>
      %dma_wait3A_56 = arith.constant 0 : i32
      %dma_wait3A_57 = arith.constant 0 : i32
      %dma_wait3A_58 = tpu.memref_slice %arg10[%dma_wait3A_56, %dma_wait3A_57] : memref<10000x8xf32, #tpu.memory_space<vmem_shared>> -> memref<10000x8xf32, #tpu.memory_space<vmem_shared>>
      tpu.wait_indirect_dma semaphore(%run_scoped3A_46 : memref<!tpu.dma_semaphore, #tpu.memory_space<semaphore_mem>>) src(%arg8 : memref<5000x8xf32, #tpu.memory_space<vmem>>) dst(%dma_wait3A_58 : memref<10000x8xf32, #tpu.memory_space<vmem_shared>>)
      tpu.yield
    }) : () -> ()
    %dma_wait3A_28 = arith.constant 1 : i32
    %dma_wait3A_29 = arith.constant 0 : i32
    %dma_wait3A_30 = tpu.memref_slice %arg6[%dma_wait3A_28, %dma_wait3A_29] : memref<2x5000xi32, #tpu.memory_space<vmem>> -> memref<1x5000xi32, #tpu.memory_space<vmem>>
    %dma_wait3A_31 = tpu.memref_squeeze %dma_wait3A_30 : memref<1x5000xi32, #tpu.memory_space<vmem>> -> memref<5000xi32, #tpu.memory_space<vmem>>
    %dma_wait3A_32 = arith.constant 0 : i32
    %dma_wait3A_33 = arith.constant 0 : i32
    %dma_wait3A_34 = tpu.memref_slice %arg2[%dma_wait3A_32, %dma_wait3A_33] : memref<10000x8xf32, #tpu.memory_space<hbm>> -> memref<10000x8xf32, #tpu.memory_space<hbm>>
    tpu.wait_indirect_dma semaphore(%arg12 : memref<!tpu.dma_semaphore, #tpu.memory_space<semaphore_mem>>) src(%dma_wait3A_34 : memref<10000x8xf32, #tpu.memory_space<hbm>>) dst(%arg9 : memref<5000x8xf32, #tpu.memory_space<vmem>>)
    %run_scoped3A_35 = arith.constant 1 : i32
    "tpu.region"() ({
      %run_scoped3A_46 = tpu.sem_alloc : memref<!tpu.dma_semaphore, #tpu.memory_space<semaphore_mem>>
      %dma_start3A_47 = arith.constant 0 : i32
      %dma_start3A_48 = tpu.memref_slice %arg7[%run_scoped3A_35, %dma_start3A_47] : memref<2x5000xi32, #tpu.memory_space<vmem>> -> memref<1x5000xi32, #tpu.memory_space<vmem>>
      %dma_start3A_49 = tpu.memref_squeeze %dma_start3A_48 : memref<1x5000xi32, #tpu.memory_space<vmem>> -> memref<5000xi32, #tpu.memory_space<vmem>>
      %dma_start3A_50 = arith.constant 0 : i32
      %dma_start3A_51 = arith.constant 0 : i32
      %dma_start3A_52 = tpu.memref_slice %arg10[%dma_start3A_50, %dma_start3A_51] : memref<10000x8xf32, #tpu.memory_space<vmem_shared>> -> memref<10000x8xf32, #tpu.memory_space<vmem_shared>>
      tpu.enqueue_indirect_dma source(%arg9 : memref<5000x8xf32, #tpu.memory_space<vmem>>) target(%dma_start3A_52 : memref<10000x8xf32, #tpu.memory_space<vmem_shared>>) offsets(%dma_start3A_49 : memref<5000xi32, #tpu.memory_space<vmem>>) semaphore(%run_scoped3A_46 : memref<!tpu.dma_semaphore, #tpu.memory_space<semaphore_mem>>) {add = true}
      %dma_wait3A_53 = arith.constant 0 : i32
      %dma_wait3A_54 = tpu.memref_slice %arg7[%run_scoped3A_35, %dma_wait3A_53] : memref<2x5000xi32, #tpu.memory_space<vmem>> -> memref<1x5000xi32, #tpu.memory_space<vmem>>
      %dma_wait3A_55 = tpu.memref_squeeze %dma_wait3A_54 : memref<1x5000xi32, #tpu.memory_space<vmem>> -> memref<5000xi32, #tpu.memory_space<vmem>>
      %dma_wait3A_56 = arith.constant 0 : i32
      %dma_wait3A_57 = arith.constant 0 : i32
      %dma_wait3A_58 = tpu.memref_slice %arg10[%dma_wait3A_56, %dma_wait3A_57] : memref<10000x8xf32, #tpu.memory_space<vmem_shared>> -> memref<10000x8xf32, #tpu.memory_space<vmem_shared>>
      tpu.wait_indirect_dma semaphore(%run_scoped3A_46 : memref<!tpu.dma_semaphore, #tpu.memory_space<semaphore_mem>>) src(%arg9 : memref<5000x8xf32, #tpu.memory_space<vmem>>) dst(%dma_wait3A_58 : memref<10000x8xf32, #tpu.memory_space<vmem_shared>>)
      tpu.yield
    }) : () -> ()
    %barrier3A_36 = arith.constant 0 : index
    tpu.barrier barrier_id(%barrier3A_36)
    %mul3A_37 = arith.constant 624 : i32
    %mul3A_38 = arith.muli %arg1, %mul3A_37 : i32
    %mul3A_39 = arith.constant 624 : i32
    %mul3A_40 = arith.muli %arg1, %mul3A_39 : i32
    "tpu.region"() ({
      %run_scoped3A_46 = tpu.sem_alloc : memref<!tpu.dma_semaphore, #tpu.memory_space<semaphore_mem>>
      %dma_start3A_47 = arith.constant 0 : i32
      %dma_start3A_48 = tpu.memref_slice %arg5[%arg0, %mul3A_40, %dma_start3A_47] : memref<2x10000x8xf32, #tpu.memory_space<hbm>> -> memref<1x624x8xf32, #tpu.memory_space<hbm>>
      %dma_start3A_49 = tpu.memref_squeeze %dma_start3A_48 : memref<1x624x8xf32, #tpu.memory_space<hbm>> -> memref<624x8xf32, #tpu.memory_space<hbm>>
      %dma_start3A_50 = arith.constant 0 : i32
      %dma_start3A_51 = tpu.memref_slice %arg10[%mul3A_38, %dma_start3A_50] : memref<10000x8xf32, #tpu.memory_space<vmem_shared>> -> memref<624x8xf32, #tpu.memory_space<vmem_shared>>
      tpu.enqueue_dma source(%dma_start3A_51 : memref<624x8xf32, #tpu.memory_space<vmem_shared>>) target(%dma_start3A_49 : memref<624x8xf32, #tpu.memory_space<hbm>>) target_semaphore(%run_scoped3A_46 : memref<!tpu.dma_semaphore, #tpu.memory_space<semaphore_mem>>)
      %dma_wait3A_52 = arith.constant 0 : i32
      %dma_wait3A_53 = tpu.memref_slice %arg5[%arg0, %mul3A_40, %dma_wait3A_52] : memref<2x10000x8xf32, #tpu.memory_space<hbm>> -> memref<1x624x8xf32, #tpu.memory_space<hbm>>
      %dma_wait3A_54 = tpu.memref_squeeze %dma_wait3A_53 : memref<1x624x8xf32, #tpu.memory_space<hbm>> -> memref<624x8xf32, #tpu.memory_space<hbm>>
      %dma_wait3A_55 = arith.constant 0 : i32
      %dma_wait3A_56 = tpu.memref_slice %arg10[%mul3A_38, %dma_wait3A_55] : memref<10000x8xf32, #tpu.memory_space<vmem_shared>> -> memref<624x8xf32, #tpu.memory_space<vmem_shared>>
      tpu.wait_dma2 semaphore(%run_scoped3A_46 : memref<!tpu.dma_semaphore, #tpu.memory_space<semaphore_mem>>) src(%dma_wait3A_56 : memref<624x8xf32, #tpu.memory_space<vmem_shared>>) dst(%dma_wait3A_54 : memref<624x8xf32, #tpu.memory_space<hbm>>)
      tpu.yield
    }) : () -> ()
    %eq3A_41 = arith.constant 15 : i32
    %eq3A_42 = arith.cmpi eq, %arg1, %eq3A_41 : i32
    %convert_element_type3A_43 = arith.extui %eq3A_42 : i1 to i32
    %cond3A_44 = arith.constant 0 : i32
    %cond3A_45 = arith.cmpi ne, %convert_element_type3A_43, %cond3A_44 : i32
    scf.if %cond3A_45 {
      "tpu.region"() ({
        %run_scoped3A_46 = tpu.sem_alloc : memref<!tpu.dma_semaphore, #tpu.memory_space<semaphore_mem>>
        %dma_start3A_47 = arith.constant 9984 : i32
        %dma_start3A_48 = arith.constant 0 : i32
        %dma_start3A_49 = tpu.memref_slice %arg5[%arg0, %dma_start3A_47, %dma_start3A_48] : memref<2x10000x8xf32, #tpu.memory_space<hbm>> -> memref<1x16x8xf32, #tpu.memory_space<hbm>>
        %dma_start3A_50 = tpu.memref_squeeze %dma_start3A_49 : memref<1x16x8xf32, #tpu.memory_space<hbm>> -> memref<16x8xf32, #tpu.memory_space<hbm>>
        %dma_start3A_51 = arith.constant 9984 : i32
        %dma_start3A_52 = arith.constant 0 : i32
        %dma_start3A_53 = tpu.memref_slice %arg10[%dma_start3A_51, %dma_start3A_52] : memref<10000x8xf32, #tpu.memory_space<vmem_shared>> -> memref<16x8xf32, #tpu.memory_space<vmem_shared>>
        tpu.enqueue_dma source(%dma_start3A_53 : memref<16x8xf32, #tpu.memory_space<vmem_shared>>) target(%dma_start3A_50 : memref<16x8xf32, #tpu.memory_space<hbm>>) target_semaphore(%run_scoped3A_46 : memref<!tpu.dma_semaphore, #tpu.memory_space<semaphore_mem>>)
        %dma_wait3A_54 = arith.constant 9984 : i32
        %dma_wait3A_55 = arith.constant 0 : i32
        %dma_wait3A_56 = tpu.memref_slice %arg5[%arg0, %dma_wait3A_54, %dma_wait3A_55] : memref<2x10000x8xf32, #tpu.memory_space<hbm>> -> memref<1x16x8xf32, #tpu.memory_space<hbm>>
        %dma_wait3A_57 = tpu.memref_squeeze %dma_wait3A_56 : memref<1x16x8xf32, #tpu.memory_space<hbm>> -> memref<16x8xf32, #tpu.memory_space<hbm>>
        %dma_wait3A_58 = arith.constant 9984 : i32
        %dma_wait3A_59 = arith.constant 0 : i32
        %dma_wait3A_60 = tpu.memref_slice %arg10[%dma_wait3A_58, %dma_wait3A_59] : memref<10000x8xf32, #tpu.memory_space<vmem_shared>> -> memref<16x8xf32, #tpu.memory_space<vmem_shared>>
        tpu.wait_dma2 semaphore(%run_scoped3A_46 : memref<!tpu.dma_semaphore, #tpu.memory_space<semaphore_mem>>) src(%dma_wait3A_60 : memref<16x8xf32, #tpu.memory_space<vmem_shared>>) dst(%dma_wait3A_57 : memref<16x8xf32, #tpu.memory_space<hbm>>)
        tpu.yield
      }) : () -> ()
    } else {
    }
    return
  }
}

module attributes {stable_mosaic.version = 14 : i64} {
  func.func @_mm_body(%arg0: memref<10000x128xf32, #tpu.memory_space<vmem>>, %arg1: memref<128x8xf32, #tpu.memory_space<vmem>>, %arg2: memref<10000x8xf32, #tpu.memory_space<vmem>>) attributes {dimension_semantics = [], scalar_prefetch = 0 : i64, scratch_operands = 0 : i64, tpu.core_type = #tpu.core_type<tc>} {
    %get3A = arith.constant 0 : index
    %get3A_0 = arith.constant 0 : index
    %get3A_1 = vector.load %arg0[%get3A, %get3A_0] : memref<10000x128xf32, #tpu.memory_space<vmem>>, vector<10000x128xf32>
    %get3A_2 = arith.constant 0 : index
    %get3A_3 = arith.constant 0 : index
    %get3A_4 = vector.load %arg1[%get3A_2, %get3A_3] : memref<128x8xf32, #tpu.memory_space<vmem>>, vector<128x8xf32>
    %dot_general3A = arith.constant dense<0.000000e+00> : vector<10000x8xf32>
    %dot_general3A_5 = tpu.matmul %get3A_1, %get3A_4, %dot_general3A {dimension_numbers = #tpu.dot_dimension_numbers<[1], [0], [0], [1], [0, 0, 1, 1], [], []>, transpose_lhs_hint = false} : vector<10000x128xf32>, vector<128x8xf32>, vector<10000x8xf32> -> vector<10000x8xf32>
    %swap3A = arith.constant 0 : index
    %swap3A_6 = arith.constant 0 : index
    %swap3A_7 = vector.load %arg2[%swap3A, %swap3A_6] : memref<10000x8xf32, #tpu.memory_space<vmem>>, vector<10000x8xf32>
    tpu.vector_store %arg2[%swap3A, %swap3A_6], %dot_general3A_5 {strides = array<i32>} : memref<10000x8xf32, #tpu.memory_space<vmem>>, vector<10000x8xf32>,
    return
  }
}

module attributes {stable_mosaic.version = 14 : i64} {
  func.func @_mlp_body(%arg0: memref<10000x8xf32, #tpu.memory_space<vmem>>, %arg1: memref<2x10000x8xf32, #tpu.memory_space<vmem>>, %arg2: memref<1x8xf32, #tpu.memory_space<vmem>>, %arg3: memref<8x8xf32, #tpu.memory_space<vmem>>, %arg4: memref<1x8xf32, #tpu.memory_space<vmem>>, %arg5: memref<8x8xf32, #tpu.memory_space<vmem>>, %arg6: memref<10000x8xf32, #tpu.memory_space<vmem>>) attributes {dimension_semantics = [], scalar_prefetch = 0 : i64, scratch_operands = 0 : i64, tpu.core_type = #tpu.core_type<tc>} {
    %get3A = arith.constant 0 : index
    %get3A_0 = arith.constant 0 : index
    %get3A_1 = vector.load %arg0[%get3A, %get3A_0] : memref<10000x8xf32, #tpu.memory_space<vmem>>, vector<10000x8xf32>
    %get3A_2 = arith.constant 0 : index
    %get3A_3 = arith.constant 0 : index
    %get3A_4 = arith.constant 0 : index
    %get3A_5 = vector.load %arg1[%get3A_2, %get3A_3, %get3A_4] : memref<2x10000x8xf32, #tpu.memory_space<vmem>>, vector<1x10000x8xf32>
    %get3A_6 = vector.shape_cast %get3A_5 : vector<1x10000x8xf32> to vector<10000x8xf32>
    %add3A = arith.addf %get3A_1, %get3A_6 : vector<10000x8xf32>
    %get3A_7 = arith.constant 1 : index
    %get3A_8 = arith.constant 0 : index
    %get3A_9 = arith.constant 0 : index
    %get3A_10 = vector.load %arg1[%get3A_7, %get3A_8, %get3A_9] : memref<2x10000x8xf32, #tpu.memory_space<vmem>>, vector<1x10000x8xf32>
    %get3A_11 = vector.shape_cast %get3A_10 : vector<1x10000x8xf32> to vector<10000x8xf32>
    %add3A_12 = arith.addf %add3A, %get3A_11 : vector<10000x8xf32>
    %get3A_13 = arith.constant 0 : index
    %get3A_14 = arith.constant 0 : index
    %get3A_15 = vector.load %arg2[%get3A_13, %get3A_14] : memref<1x8xf32, #tpu.memory_space<vmem>>, vector<1x8xf32>
    %add3A_16 = vector.broadcast %get3A_15 : vector<1x8xf32> to vector<10000x8xf32>
    %add3A_17 = arith.addf %add3A_12, %add3A_16 : vector<10000x8xf32>
    %ge3A = arith.constant 0.000000e+00 : f32
    %ge3A_18 = vector.broadcast %ge3A : f32 to vector<10000x8xf32>
    %ge3A_19 = arith.cmpf oge, %add3A_17, %ge3A_18 : vector<10000x8xf32>
    %mul3A = arith.constant 0.00999999977 : f32
    %mul3A_20 = vector.broadcast %mul3A : f32 to vector<10000x8xf32>
    %mul3A_21 = arith.mulf %mul3A_20, %add3A_17 : vector<10000x8xf32>
    %select_n3A = arith.select %ge3A_19, %add3A_17, %mul3A_21 : vector<10000x8xi1>, vector<10000x8xf32>
    %get3A_22 = arith.constant 0 : index
    %get3A_23 = arith.constant 0 : index
    %get3A_24 = vector.load %arg3[%get3A_22, %get3A_23] : memref<8x8xf32, #tpu.memory_space<vmem>>, vector<8x8xf32>
    %dot_general3A = arith.constant dense<0.000000e+00> : vector<10000x8xf32>
    %dot_general3A_25 = tpu.matmul %select_n3A, %get3A_24, %dot_general3A {dimension_numbers = #tpu.dot_dimension_numbers<[1], [0], [0], [1], [0, 0, 1, 1], [], []>, transpose_lhs_hint = false} : vector<10000x8xf32>, vector<8x8xf32>, vector<10000x8xf32> -> vector<10000x8xf32>
    %get3A_26 = arith.constant 0 : index
    %get3A_27 = arith.constant 0 : index
    %get3A_28 = vector.load %arg4[%get3A_26, %get3A_27] : memref<1x8xf32, #tpu.memory_space<vmem>>, vector<1x8xf32>
    %add3A_29 = vector.broadcast %get3A_28 : vector<1x8xf32> to vector<10000x8xf32>
    %add3A_30 = arith.addf %dot_general3A_25, %add3A_29 : vector<10000x8xf32>
    %ge3A_31 = arith.constant 0.000000e+00 : f32
    %ge3A_32 = vector.broadcast %ge3A_31 : f32 to vector<10000x8xf32>
    %ge3A_33 = arith.cmpf oge, %add3A_30, %ge3A_32 : vector<10000x8xf32>
    %mul3A_34 = arith.constant 0.00999999977 : f32
    %mul3A_35 = vector.broadcast %mul3A_34 : f32 to vector<10000x8xf32>
    %mul3A_36 = arith.mulf %mul3A_35, %add3A_30 : vector<10000x8xf32>
    %select_n3A_37 = arith.select %ge3A_33, %add3A_30, %mul3A_36 : vector<10000x8xi1>, vector<10000x8xf32>
    %get3A_38 = arith.constant 0 : index
    %get3A_39 = arith.constant 0 : index
    %get3A_40 = vector.load %arg5[%get3A_38, %get3A_39] : memref<8x8xf32, #tpu.memory_space<vmem>>, vector<8x8xf32>
    %dot_general3A_41 = arith.constant dense<0.000000e+00> : vector<10000x8xf32>
    %dot_general3A_42 = tpu.matmul %select_n3A_37, %get3A_40, %dot_general3A_41 {dimension_numbers = #tpu.dot_dimension_numbers<[1], [0], [0], [1], [0, 0, 1, 1], [], []>, transpose_lhs_hint = false} : vector<10000x8xf32>, vector<8x8xf32>, vector<10000x8xf32> -> vector<10000x8xf32>
    %swap3A = arith.constant 0 : index
    %swap3A_43 = arith.constant 0 : index
    %swap3A_44 = vector.load %arg6[%swap3A, %swap3A_43] : memref<10000x8xf32, #tpu.memory_space<vmem>>, vector<10000x8xf32>
    tpu.vector_store %arg6[%swap3A, %swap3A_43], %dot_general3A_42 {strides = array<i32>} : memref<10000x8xf32, #tpu.memory_space<vmem>>, vector<10000x8xf32>,
    return
  }
}

module attributes {stable_mosaic.version = 14 : i64} {
  func.func @_head_body(%arg0: memref<10000x8xf32, #tpu.memory_space<vmem>>, %arg1: memref<2x10000x8xf32, #tpu.memory_space<vmem>>, %arg2: memref<1x8xf32, #tpu.memory_space<vmem>>, %arg3: memref<8x8xf32, #tpu.memory_space<vmem>>, %arg4: memref<1x8xf32, #tpu.memory_space<vmem>>, %arg5: memref<8x1xf32, #tpu.memory_space<vmem>>, %arg6: memref<1x1xf32, #tpu.memory_space<vmem>>, %arg7: memref<10000x10xf32, #tpu.memory_space<vmem>>, %arg8: memref<1x10xf32, #tpu.memory_space<vmem>>, %arg9: memref<1x10xf32, #tpu.memory_space<vmem>>) attributes {dimension_semantics = [], scalar_prefetch = 0 : i64, scratch_operands = 0 : i64, tpu.core_type = #tpu.core_type<tc>} {
    %get3A = arith.constant 0 : index
    %get3A_0 = arith.constant 0 : index
    %get3A_1 = vector.load %arg0[%get3A, %get3A_0] : memref<10000x8xf32, #tpu.memory_space<vmem>>, vector<10000x8xf32>
    %get3A_2 = arith.constant 0 : index
    %get3A_3 = arith.constant 0 : index
    %get3A_4 = arith.constant 0 : index
    %get3A_5 = vector.load %arg1[%get3A_2, %get3A_3, %get3A_4] : memref<2x10000x8xf32, #tpu.memory_space<vmem>>, vector<1x10000x8xf32>
    %get3A_6 = vector.shape_cast %get3A_5 : vector<1x10000x8xf32> to vector<10000x8xf32>
    %add3A = arith.addf %get3A_1, %get3A_6 : vector<10000x8xf32>
    %get3A_7 = arith.constant 1 : index
    %get3A_8 = arith.constant 0 : index
    %get3A_9 = arith.constant 0 : index
    %get3A_10 = vector.load %arg1[%get3A_7, %get3A_8, %get3A_9] : memref<2x10000x8xf32, #tpu.memory_space<vmem>>, vector<1x10000x8xf32>
    %get3A_11 = vector.shape_cast %get3A_10 : vector<1x10000x8xf32> to vector<10000x8xf32>
    %add3A_12 = arith.addf %add3A, %get3A_11 : vector<10000x8xf32>
    %get3A_13 = arith.constant 0 : index
    %get3A_14 = arith.constant 0 : index
    %get3A_15 = vector.load %arg2[%get3A_13, %get3A_14] : memref<1x8xf32, #tpu.memory_space<vmem>>, vector<1x8xf32>
    %add3A_16 = vector.broadcast %get3A_15 : vector<1x8xf32> to vector<10000x8xf32>
    %add3A_17 = arith.addf %add3A_12, %add3A_16 : vector<10000x8xf32>
    %ge3A = arith.constant 0.000000e+00 : f32
    %ge3A_18 = vector.broadcast %ge3A : f32 to vector<10000x8xf32>
    %ge3A_19 = arith.cmpf oge, %add3A_17, %ge3A_18 : vector<10000x8xf32>
    %mul3A = arith.constant 0.00999999977 : f32
    %mul3A_20 = vector.broadcast %mul3A : f32 to vector<10000x8xf32>
    %mul3A_21 = arith.mulf %mul3A_20, %add3A_17 : vector<10000x8xf32>
    %select_n3A = arith.select %ge3A_19, %add3A_17, %mul3A_21 : vector<10000x8xi1>, vector<10000x8xf32>
    %get3A_22 = arith.constant 0 : index
    %get3A_23 = arith.constant 0 : index
    %get3A_24 = vector.load %arg3[%get3A_22, %get3A_23] : memref<8x8xf32, #tpu.memory_space<vmem>>, vector<8x8xf32>
    %dot_general3A = arith.constant dense<0.000000e+00> : vector<10000x8xf32>
    %dot_general3A_25 = tpu.matmul %select_n3A, %get3A_24, %dot_general3A {dimension_numbers = #tpu.dot_dimension_numbers<[1], [0], [0], [1], [0, 0, 1, 1], [], []>, transpose_lhs_hint = false} : vector<10000x8xf32>, vector<8x8xf32>, vector<10000x8xf32> -> vector<10000x8xf32>
    %get3A_26 = arith.constant 0 : index
    %get3A_27 = arith.constant 0 : index
    %get3A_28 = vector.load %arg4[%get3A_26, %get3A_27] : memref<1x8xf32, #tpu.memory_space<vmem>>, vector<1x8xf32>
    %add3A_29 = vector.broadcast %get3A_28 : vector<1x8xf32> to vector<10000x8xf32>
    %add3A_30 = arith.addf %dot_general3A_25, %add3A_29 : vector<10000x8xf32>
    %ge3A_31 = arith.constant 0.000000e+00 : f32
    %ge3A_32 = vector.broadcast %ge3A_31 : f32 to vector<10000x8xf32>
    %ge3A_33 = arith.cmpf oge, %add3A_30, %ge3A_32 : vector<10000x8xf32>
    %mul3A_34 = arith.constant 0.00999999977 : f32
    %mul3A_35 = vector.broadcast %mul3A_34 : f32 to vector<10000x8xf32>
    %mul3A_36 = arith.mulf %mul3A_35, %add3A_30 : vector<10000x8xf32>
    %select_n3A_37 = arith.select %ge3A_33, %add3A_30, %mul3A_36 : vector<10000x8xi1>, vector<10000x8xf32>
    %get3A_38 = arith.constant 0 : index
    %get3A_39 = arith.constant 0 : index
    %get3A_40 = vector.load %arg5[%get3A_38, %get3A_39] : memref<8x1xf32, #tpu.memory_space<vmem>>, vector<8x1xf32>
    %dot_general3A_41 = arith.constant dense<0.000000e+00> : vector<10000x1xf32>
    %dot_general3A_42 = tpu.matmul %select_n3A_37, %get3A_40, %dot_general3A_41 {dimension_numbers = #tpu.dot_dimension_numbers<[1], [0], [0], [1], [0, 0, 1, 1], [], []>, transpose_lhs_hint = false} : vector<10000x8xf32>, vector<8x1xf32>, vector<10000x1xf32> -> vector<10000x1xf32>
    %get3A_43 = arith.constant 0 : index
    %get3A_44 = arith.constant 0 : index
    %get3A_45 = vector.load %arg6[%get3A_43, %get3A_44] : memref<1x1xf32, #tpu.memory_space<vmem>>, vector<1x1xf32>
    %add3A_46 = vector.broadcast %get3A_45 : vector<1x1xf32> to vector<10000x1xf32>
    %add3A_47 = arith.addf %dot_general3A_42, %add3A_46 : vector<10000x1xf32>
    %ge3A_48 = arith.constant 0.000000e+00 : f32
    %ge3A_49 = vector.broadcast %ge3A_48 : f32 to vector<10000x1xf32>
    %ge3A_50 = arith.cmpf oge, %add3A_47, %ge3A_49 : vector<10000x1xf32>
    %mul3A_51 = arith.constant 0.00999999977 : f32
    %mul3A_52 = vector.broadcast %mul3A_51 : f32 to vector<10000x1xf32>
    %mul3A_53 = arith.mulf %mul3A_52, %add3A_47 : vector<10000x1xf32>
    %select_n3A_54 = arith.select %ge3A_50, %add3A_47, %mul3A_53 : vector<10000x1xi1>, vector<10000x1xf32>
    %get3A_55 = arith.constant 0 : index
    %get3A_56 = arith.constant 0 : index
    %get3A_57 = vector.load %arg7[%get3A_55, %get3A_56] : memref<10000x10xf32, #tpu.memory_space<vmem>>, vector<10000x10xf32>
    %mul3A_58 = vector.broadcast %select_n3A_54 : vector<10000x1xf32> to vector<10000x10xf32>
    %mul3A_59 = arith.mulf %mul3A_58, %get3A_57 : vector<10000x10xf32>
    %reduce_sum3A = arith.constant dense<0.000000e+00> : vector<10xf32>
    %reduce_sum3A_60 = vector.multi_reduction <add>, %mul3A_59, %reduce_sum3A [0] : vector<10000x10xf32> to vector<10xf32>
    %broadcast_in_dim3A = vector.shape_cast %reduce_sum3A_60 : vector<10xf32> to vector<1x10xf32>
    %get3A_61 = arith.constant 0 : index
    %get3A_62 = arith.constant 0 : index
    %get3A_63 = vector.load %arg8[%get3A_61, %get3A_62] : memref<1x10xf32, #tpu.memory_space<vmem>>, vector<1x10xf32>
    %add3A_64 = arith.addf %broadcast_in_dim3A, %get3A_63 : vector<1x10xf32>
    %reduce_max3A = arith.constant dense<0xFF800000> : vector<1xf32>
    %reduce_max3A_65 = vector.multi_reduction <maximumf>, %add3A_64, %reduce_max3A [1] : vector<1x10xf32> to vector<1xf32>
    %broadcast_in_dim3A_66 = vector.shape_cast %reduce_max3A_65 : vector<1xf32> to vector<1x1xf32>
    %sub3A = vector.broadcast %broadcast_in_dim3A_66 : vector<1x1xf32> to vector<1x10xf32>
    %sub3A_67 = arith.subf %add3A_64, %sub3A : vector<1x10xf32>
    %sub3A_68 = vector.broadcast %broadcast_in_dim3A_66 : vector<1x1xf32> to vector<1x10xf32>
    %sub3A_69 = arith.subf %add3A_64, %sub3A_68 : vector<1x10xf32>
    %exp3A = math.exp %sub3A_69 : vector<1x10xf32>
    %reduce_sum3A_70 = arith.constant dense<0.000000e+00> : vector<1xf32>
    %reduce_sum3A_71 = vector.multi_reduction <add>, %exp3A, %reduce_sum3A_70 [1] : vector<1x10xf32> to vector<1xf32>
    %broadcast_in_dim3A_72 = vector.shape_cast %reduce_sum3A_71 : vector<1xf32> to vector<1x1xf32>
    %log3A = math.log %broadcast_in_dim3A_72 : vector<1x1xf32>
    %sub3A_73 = vector.broadcast %log3A : vector<1x1xf32> to vector<1x10xf32>
    %sub3A_74 = arith.subf %sub3A_67, %sub3A_73 : vector<1x10xf32>
    %swap3A = arith.constant 0 : index
    %swap3A_75 = arith.constant 0 : index
    %swap3A_76 = vector.load %arg9[%swap3A, %swap3A_75] : memref<1x10xf32, #tpu.memory_space<vmem>>, vector<1x10xf32>
    tpu.vector_store %arg9[%swap3A, %swap3A_75], %sub3A_74 {strides = array<i32>} : memref<1x10xf32, #tpu.memory_space<vmem>>, vector<1x10xf32>,
    return
  }
}

</mosaic_0001>

<sc_bundles>
// kernel: kernel.10.cloned.1.call-start
scs
__scs_entry_jumppad:
0x0: {  	(pc) =	sbr.rel $0x88, $3  }
0x1: {  	(tag) =	ssettag $0x0;
	lr =	simm.s32 $0x1  }
0x2: {  	[smem:$0x3F93] =	sst lr;
	_ =	strace $0xD0000000  }
0x3: {  	_ = 	snop  }
0x4: {  	_ = 	snop  }
0x5: {  	_ = 	snop  }
0x6: {  	_ = 	snop  }
0x7: {  	_ = 	snop  }
__scs_overlays_trampoline_lowered:
0x8: {  	[smem:$0x3FA2] =	sst s0  }
0x9: {  	[smem:$0x3FA3] =	sst s1  }
0xa: {  	[smem:$0x3FA4] =	sst s2  }
0xb: {  	[smem:$0x3FA5] =	sst s3  }
0xc: {  	[smem:$0x3FA6] =	sst s4  }
0xd: {  	[smem:$0x3FA7] =	sst s5  }
0xe: {  	[smem:$0x3FA8] =	sst s6  }
0xf: {  	[smem:$0x3FA9] =	sst s7  }
0x10: {  	[smem:$0x3FAA] =	sst s8  }
0x11: {  	[smem:$0x3FAB] =	sst s9;
	s0 =	simm.s32 @!p0 $0x0  }
0x12: {  	s1 =	sld [smem:$0x3F91];
	s0 =	simm.s32 @p0 $0x1  }
0x13: {  	[smem:$0x3FAC] =	sst s0;
	s0 =	simm.s32 @!p1 $0x0  }
0x14: {  	s2 =	sld [smem:$0x3F90];
	s0 =	simm.s32 @p1 $0x1  }
0x15: {  	[smem:$0x3FAD] =	sst s0;
	s0 =	simm.s32 @!p2 $0x0  }
0x16: {  	s3 =	sld [smem:$0x3FDB];
	s0 =	simm.s32 @p2 $0x1  }
0x17: {  	s4 =	simm.s32 $0x1BF5;
	[smem:$0x3FAF] =	sst s0  }
0x18: {  	s0 =	sld [smem:$0x3F92];
	_ =	swait.ge [sflag:s4], $0x0  }
0x19: {  	s7 =	sld [smem:$0x3F93]  }
0x1a: {  	s8 =	sadd.s32 $0xFFFFE003, lr  }
0x1b: {  	s9 =	sadd.s32 $0xFFFFFEF7, lr;
	s5 =	simm.s32 $0xFFFFFFFF;
	p2 =	slt.u32 s8, $0xFFFFF086  }
0x1c: {  	p1 =	slt.u32 s9, $0xF7A;
	s5 =	simm.s32 @!p2 $0x0  }
0x1d: {  	s5 =	simm.s32 @p1 $0x1;
	p0 =	seq.s32 s7, s2  }
0x1e: {  	s7 =	smul.u32 @!p0 $0xF7A, s2;
	p2 =	seq.s32 @!p0 s5, $0x0  }
0x1f: {  	s9 =	smul.u32 $0xF7A, s1;
	s8 =	simm.s32 @!p0 $0x1BF5;
	p2 =	por !p2, p0  }
0x20: {  	[sflag:s8] =	ssyncset.s32 @!p0 $0xFFFFF086;
	s6 =	sadd.s32 @!p0 s3, s7;
	s7 =	simm.s32 @!p0 $0x108  }
0x21: {  	s3 =	sadd.s32 s3, s9;
	s6 =	sadd.s32 @!p0 $0x88, s6;
	s7 =	simm.s32 @p2 $0x1082  }
0x22: {  	[simem:s7], [sflag:s8] =	dma.local @!p0 [hbm:s6], $0xF7A  }
0x23: {  	s9 =	sor.u32 $0xD0000000, s2;
	s6 =	simm.s32 $0x108;
	_ =	swait.ge @!p0 [sflag:s8], $0x0  }
0x24: {  	s3 =	sadd.s32 $0x88, s3;
	s6 =	simm.s32 @!p1 $0x1082;
	[sflag:s4] =	ssyncset.s32 $0xFFFFF086  }
0x25: {  	[simem:s6], [sflag:s4] =	dma.local [hbm:s3], $0xF7A  }
0x26: {  	[smem:$0x3F93] =	sst s1;
	(tag) =	ssettag s2;
	_ =	strace s9  }
0x27: {  	s1 =	sld [smem:$0x3FA3]  }
0x28: {  	s2 =	sld [smem:$0x3FA4]  }
0x29: {  	s4 =	sld [smem:$0x3FA6]  }
0x2a: {  	p0 =	seq.s32 s5, $0x0;
	s5 =	sld [smem:$0x3FA7]  }
0x2b: {  	s6 =	sld [smem:$0x3FA8]  }
0x2c: {  	s7 =	sld [smem:$0x3FA9]  }
0x2d: {  	s3 =	simm.s32 $0x108;
	s8 =	sld [smem:$0x3FAA]  }
0x2e: {  	s3 =	simm.s32 @!p0 $0x1082;
	s9 =	sld [smem:$0x3FAB]  }
0x2f: {  	lr =	sadd.s32 s0, s3;
	s0 =	sld [smem:$0x3FA2]  }
0x30: {  	s3 =	sld [smem:$0x3FA5]  }
0x31: {  	[smem:$0x3FAE] =	sst s10  }
0x32: {  	s10 =	sld [smem:$0x3FAC];
	_ =	sdelay $0x3  }
0x33: {  	p0 =	seq.s32 s10, $0x1;
	s10 =	sld [smem:$0x3FAE];
	_ =	sdelay $0x3  }
0x34: {  	[smem:$0x3FAE] =	sst s10  }
0x35: {  	s10 =	sld [smem:$0x3FAD];
	_ =	sdelay $0x3  }
0x36: {  	p1 =	seq.s32 s10, $0x1;
	s10 =	sld [smem:$0x3FAE];
	_ =	sdelay $0x3  }
0x37: {  	[smem:$0x3FAE] =	sst s10  }
0x38: {  	s10 =	sld [smem:$0x3FAF]  }
0x39: {  	_ = 	snop;
	(pc) =	sbr.ind lr, $3  }
0x3a: {  	_ = 	snop  }
0x3b: {  	_ = 	snop  }
0x3c: {  	p2 =	seq.s32 s10, $0x1;
	s10 =	sld [smem:$0x3FAE]  }
0x3d: {  	_ =	shalt  }
0x3e: {  	_ =	shalt  }
0x3f: {  	_ =	shalt  }
0x40: {  	_ =	shalt  }
0x41: {  	_ =	shalt  }
0x42: {  	_ =	shalt  }
0x43: {  	_ =	shalt  }
0x44: {  	_ =	shalt  }
0x45: {  	_ =	shalt  }
0x46: {  	_ =	shalt  }
0x47: {  	_ =	shalt  }
0x48: {  	_ =	shalt  }
0x49: {  	_ =	shalt  }
0x4a: {  	_ =	shalt  }
0x4b: {  	_ =	shalt  }
0x4c: {  	_ =	shalt  }
0x4d: {  	_ =	shalt  }
0x4e: {  	_ =	shalt  }
0x4f: {  	_ =	shalt  }
0x50: {  	_ =	shalt  }
0x51: {  	_ =	shalt  }
0x52: {  	_ =	shalt  }
0x53: {  	_ =	shalt  }
0x54: {  	_ =	shalt  }
0x55: {  	_ =	shalt  }
0x56: {  	_ =	shalt  }
0x57: {  	_ =	shalt  }
0x58: {  	_ =	shalt  }
0x59: {  	_ =	shalt  }
0x5a: {  	_ =	shalt  }
0x5b: {  	_ =	shalt  }
0x5c: {  	_ =	shalt  }
0x5d: {  	_ =	shalt  }
0x5e: {  	_ =	shalt  }
0x5f: {  	_ =	shalt  }
0x60: {  	_ =	shalt  }
0x61: {  	_ =	shalt  }
0x62: {  	_ =	shalt  }
0x63: {  	_ =	shalt  }
0x64: {  	_ =	shalt  }
0x65: {  	_ =	shalt  }
0x66: {  	_ =	shalt  }
0x67: {  	_ =	shalt  }
0x68: {  	_ =	shalt  }
0x69: {  	_ =	shalt  }
0x6a: {  	_ =	shalt  }
0x6b: {  	_ =	shalt  }
0x6c: {  	_ =	shalt  }
0x6d: {  	_ =	shalt  }
0x6e: {  	_ =	shalt  }
0x6f: {  	_ =	shalt  }
0x70: {  	_ =	shalt  }
0x71: {  	_ =	shalt  }
0x72: {  	_ =	shalt  }
0x73: {  	_ =	shalt  }
0x74: {  	_ =	shalt  }
0x75: {  	_ =	shalt  }
0x76: {  	_ =	shalt  }
0x77: {  	_ =	shalt  }
0x78: {  	_ =	shalt  }
0x79: {  	_ =	shalt  }
0x7a: {  	_ =	shalt  }
0x7b: {  	_ =	shalt  }
0x7c: {  	_ =	shalt  }
0x7d: {  	_ =	shalt  }
0x7e: {  	_ =	shalt  }
0x7f: {  	_ =	shalt  }
0x80: {  	_ =	shalt  }
0x81: {  	_ =	shalt  }
0x82: {  	_ =	shalt  }
0x83: {  	_ =	shalt  }
0x84: {  	_ =	shalt  }
0x85: {  	_ =	shalt  }
0x86: {  	_ =	shalt  }
0x87: {  	_ =	shalt  }
.Lfunc_end0:
.L_simem_size_0:
called_computation.1_lowered:
.L_overlay_start_0:
0x88: {  	s2 =	sld [smem:$0x3FD9]  }
0x89: {  	s3 =	sld [smem:$0x3FFE];
	_ =	sdelay $0x1  }
0x8a: {  	s1 =	srdreg.scid  }
0x8b: {  	s0 =	sand.u32 $0x1, s1  }
0x8c: {  	s16 =	sshll.u32 s0, $0xA;
	s2 =	sadd.s32 s3, s2  }
0x8d: {  	s2 =	sadd.s32 s2, s16  }
0x8e: {  	[smem:$0x3FBA] =	sst s2  }
0x8f: {  	_ = 	snop  }
0x90: {  	(tm) =	ssettm $0x1  }
0x91: {  	s17 =	sld [smem:$0x3FFB];
	_ =	sdelay $0x3  }
0x92: {  	_ =	strace s17  }
0x93: {  	s2 =	sld [smem:$0x3FFC];
	_ =	sdelay $0x3  }
0x94: {  	_ =	strace s2  }
0x95: {  	s2 =	sld [smem:$0x3FFD];
	_ =	sdelay $0x3  }
0x96: {  	_ =	strace s2  }
0x97: {  	_ =	strace $0x8FFFFFFF  }
0x98: {  	s18 =	sld [smem:$0x3FDB];
	_ =	sdelay $0x1  }
0x99: {  	s19 =	simm.s32 $_scs_section_size  }
0x9a: {  	s4 =	simm.s32 $_size__tile_overlayer_lowered;
	s5 =	simm.s32 $_tile_overlayer_lowered  }
0x9b: {  	s22 =	simm.s32 $0x1BFF;
	s21 =	sshll.u32 s5, $0x1;
	s2 =	sadd.s32 s19, s18  }
0x9c: {  	s6 =	simm.s32 $0x0;
	s20 =	sshll.u32 s4, $0x1;
	s4 =	sadd.s32 s21, s2  }
0x9d: {  	[timem:s6], [sflag:s22] =	dma.local [hbm:s4], s20  }
0x9e: {  	_ =	swait.ge [sflag:s22], s20  }
0x9f: {  	s3 =	ssub.s32 $0x0, s20;
	[sflag:s22] =	ssyncset.done $0x0  }
0xa0: {  	[sflag:s22] =	ssyncadd.s32 s3;
	_ =	sdelay $0x1  }
0xa1: {  	s23 =	simm.s32 $0x1B8B  }
0xa2: {  	_ =	swait.ge [sflag:s23], $0x1  }
0xa3: {  	[sflag:s23] =	ssyncset.done $0x0  }
0xa4: {  	s25 =	simm.s32 $0x1B8E;
	s24 =	sld [smem:$0x3FFE];
	[sflag:s23] =	ssyncadd.s32 $0xFFFFFFFF  }
0xa5: {  	s26 =	simm.s32 $execute0_lowered;
	[smem:$0x3FD2] =	sst s25  }
0xa6: {  	s4 =	sshll.u32 s26, $0x1;
	_ =	strace $0x80000049;
	[dreg:$0x1] =	wrdreg $0xFFFFFFFF  }
0xa7: {  	s28 =	simm.s32 $_size_execute0_lowered;
	s2 =	sadd.s32 s2, s4;
	[dreg:$0x0] =	wrdreg $0x0  }
0xa8: {  	s4 =	sshll.u32 s28, $0x1;
	[dreg:$0x2] =	wrdreg s2  }
0xa9: {  	[dreg:$0x3] =	wrdreg s4  }
0xaa: {  	[dreg:$0x4] =	wrdreg $0xC0  }
0xab: {  	_ =	task [dreg:s6], $0x5FFFF  }
0xac: {  	[dreg:$0x1] =	wrdreg $0xFFFFFFFF  }
0xad: {  	[dreg:$0x0] =	wrdreg $0x60  }
0xae: {  	[dreg:$0x2] =	wrdreg s24  }
0xaf: {  	[dreg:$0x3] =	wrdreg $0x186A00  }
0xb0: {  	[dreg:$0x4] =	wrdreg $0x9  }
0xb1: {  	_ =	task.clear_ibuf [dreg:s6], $0x5FFFF;
	_ =	strace $0x90000049  }
0xb2: {  	s29 =	simm.s32 $0x9;
	_ =	strace $0x8000004B  }
0xb3: {  	_ =	swait.ge [sflag:s29], $0x1  }
0xb4: {  	[sflag:s29] =	ssyncadd.s32 $0xFFFFFFFF  }
0xb5: {  	_ =	strace $0x9000004B  }
0xb6: {  	_ =	sfence  }
0xb7: {  	s30 =	sld [smem:$0x0];
	_ =	sdelay $0x2  }
0xb8: {  	s31 =	sshll.u32 s1, $0xD;
	s1 =	sshrl.u32 s1, $0x2  }
0xb9: {  	s3 =	sand.u32 $0x4000, s31;
	s1 =	sadd.s32 s1, s30  }
0xba: {  	s0 =	sor.u32 s3, s0;
	s1 =	sshll.u32 s1, $0x11  }
0xbb: {  	s0 =	sor.u32 s1, s0  }
0xbc: {  	s0 =	sadd.s32 $0x8F2B, s0  }
0xbd: {  	[sflag:s0] =	ssyncadd.remote.s32 $0x1  }
0xbe: {  	_ =	sfence.sel $0xFFFF  }
0xbf: {  	[dreg:$0x0] =	wrdreg $0xFFFFFFFF;
	(pc) =	sbr.abs _section_cstart, $3  }
0xc0: {  	[dreg:$0x1] =	wrdreg $0xFFFFFFFF  }
0xc1: {  	_ =	task.clear_ibuf [dreg:s6], $0x2FFFF;
	_ =	strace $0x9FFFFFFF  }
0xc2: {  	(tm) =	ssettm $0x7FFFFFFF  }
0xc3: {  	_ =	shalt  }
tec
execute0_lowered:
.L_overlay_start_1:
0x0: {  	(tag) =	ssettag $0x1  }
0x1: {  	s21 =	rddreg [dreg:$0x0]  }
0x2: {  	s2 =	rddreg [dreg:$0x1];
	s0 =	stileid.u32  }
0x3: {  	s4 =	srdreg.scid;
	s1 =	rddreg [dreg:$0x2]  }
0x4: {  	s3 =	simm.s32 $0x0;
	s7 =	simm.s32 $0x3;
	s22 =	smul.u32 $0x1380, s0  }
0x5: {  	s23 =	sand.u32 $0x1, s4;
	[smem:$0x7FF] =	sst s3;
	s26 =	sshll.u32 s0, $0x6  }
0x6: {  	s4 =	sshll.u32 s23, $0x4;
	_ =	strace $0x8000004A;
	s5 =	sshrl.u32 s22, $0x3  }
0x7: {  	s8 =	sor.u32 s0, s4;
	s6 =	sadd.s32 s22, s2;
	s25 =	sadd.s32 s5, s21  }
0x8: {  	s5 =	sor.u32 $0x1C03, s26;
	s6 =	sshrl.u32 s6, $0x3;
	s4 =	sadd.s32 $0x18200, s25  }
0x9: {  	[spmem:s6], [sflag:s5] =	dma.local [hbm:s4], $0x270  }
0xa: {  	s9 =	sadd.s32 $0x13800, s2;
	p0 =	sne.s32 s0, $0xF;
	_ =	swait.ge [sflag:s7], $0x270  }
0xb: {  	s10 =	sshrl.u32 @!p0 s9, $0x3;
	s9 =	simm.s32 @!p0 $0x3;
	[sflag:s7] =	ssyncset.done $0x0  }
0xc: {  	s11 =	smul.u32 $0x2710, s8;
	s8 =	sadd.s32 $0x1A900, s21;
	[sflag:s7] =	ssyncadd.s32 $0xFFFFFD90  }
0xd: {  	[spmem:s10], [sflag:s5] =	dma.local @!p0 [hbm:s8], $0x10  }
0xe: {  	s11 =	sshrl.u32 s11, $0x3;
	_ =	swait.ge @!p0 [sflag:s9], $0x10  }
0xf: {  	s12 =	sadd.s32 s11, s21;
	[sflag:s9] =	ssyncset.done @!p0 $0x0  }
0x10: {  	s11 =	sadd.s32 $0x4800, s12;
	[sflag:s9] =	ssyncadd.s32 @!p0 $0xFFFFFFF0  }
0x11: {  	[tilespmem:s3], [sflag:$0x3] =	stream.linear.gather [hbm4b:s11+s3], $0x2710, $0x38;
	[tilespmem:$0x19A28] =	vst v63  }
0x12: {  	_ =	swait.ge [sflag:s7], $0x2710  }
0x13: {  	[sflag:s7] =	ssyncset.done $0x0  }
0x14: {  	s13 =	simm.s32 $0x2710;
	s12 =	sadd.s32 $0xE440, s12;
	[sflag:s7] =	ssyncadd.s32 $0xFFFFD8F0  }
0x15: {  	[tilespmem:s13], [sflag:$0x3] =	stream.linear.gather [hbm4b:s12+s3], $0x2710, $0x38;
	[tilespmem:$0x19A28] =	vst v63  }
0x16: {  	_ =	swait.ge [sflag:s7], $0x2710  }
0x17: {  	[sflag:s7] =	ssyncset.done $0x0  }
0x18: {  	s15 =	simm.s32 $0x1388;
	[sflag:s7] =	ssyncadd.s32 $0xFFFFD8F0  }
0x19: {  	s16 =	simm.s32 $0x4E20;
	s14 =	sadd.s32 $0x2000, s21;
	[bflag:$0x0] =	sbarrier.arrive $0xFFFF  }
0x1a: {  	[tilespmem:s16], [sflag:$0x1] =	stream.indirect.gather [hbm4b:s14+s15], $0x8, s3, s15, $0xb8;
	[tilespmem:$0x19A28] =	vst v63  }
0x1b: {  	s17 =	simm.s32 $0xEA60;
	s18 =	simm.s32 $0x1  }
0x1c: {  	[tilespmem:s17], [sflag:$0x2] =	stream.indirect.gather [hbm4b:s14+s15], $0x8, s15, s15, $0xb8;
	[tilespmem:$0x19A28] =	vst v63  }
0x1d: {  	_ =	swait.ge [sflag:s18], $0x9C40  }
0x1e: {  	[sflag:s18] =	ssyncset.done $0x0  }
0x1f: {  	[sflag:s18] =	ssyncadd.s32 $0xFFFF63C0  }
0x20: {  	[spmem:s2] =	stream.indirect.scatter.add.f32 [tilespmem:s16], [sflag:$0x3], $0x8, s13, s15, $0xb8;
	[tilespmem:$0x19A28] =	vst v63  }
0x21: {  	_ =	swait.ge [sflag:s7], $0x9C40  }
0x22: {  	[sflag:s7] =	ssyncset.done $0x0  }
0x23: {  	s19 =	simm.s32 $0x2;
	[sflag:s7] =	ssyncadd.s32 $0xFFFF63C0  }
0x24: {  	s24 =	smul.u32 $0x13880, s23;
	s29 =	ssub.s32 $0x2, s23;
	_ =	swait.ge [sflag:s19], $0x9C40  }
0x25: {  	s20 =	simm.s32 $0x3A98;
	s23 =	sshrl.u32 s29, $0x1;
	[sflag:s19] =	ssyncset.done $0x0  }
0x26: {  	s28 =	sadd.s32 s22, s24;
	s22 =	ssub.s32 s29, s23;
	[sflag:s19] =	ssyncadd.s32 $0xFFFF63C0  }
0x27: {  	[spmem:s2] =	stream.indirect.scatter.add.f32 [tilespmem:s17], [sflag:$0x3], $0x8, s20, s15, $0xb8;
	[tilespmem:$0x19A28] =	vst v63  }
0x28: {  	s30 =	sshrl.u32 s24, $0x3;
	s25 =	sadd.s32 $0x1AA00, s21;
	_ =	swait.ge [sflag:s7], $0x9C40  }
0x29: {  	s31 =	smax.u32 s22, $0x1;
	s23 =	sadd.s32 s25, s30;
	[sflag:s7] =	ssyncset.done $0x0  }
0x2a: {  	s21 =	sshrl.u32 s28, $0x3;
	s22 =	sadd.s32 $0x2700, s23;
	[sflag:s7] =	ssyncadd.s32 $0xFFFF63C0  }
0x2b: {  	s23 =	sadd.s32 $0xFFFFFFFF, s31;
	s21 =	sadd.s32 s25, s21;
	[bflag:$0x0] =	sbarrier.arrive $0xFFFF  }
0x2c: {  	[hbm:s21], [sflag:s5] =	dma.local [spmem:s6], $0x270  }
0x2d: {  	p1 =	sne.s32 s23, $0x0;
	_ =	swait.ge [sflag:s7], $0x270  }
.Ltmp0:
0x2e: {  	[sflag:s7] =	ssyncset.done $0x0;
	(pc) =	sbr.rel @!p1 .LBB2_2-.Ltmp0, $4  }
0x2f: {  	[sflag:s7] =	ssyncadd.s32 $0xFFFFFD90  }
0x30: {  	[hbm:s22], [sflag:s5] =	dma.local @!p0 [spmem:s10], $0x10  }
0x31: {  	_ =	swait.ge @!p0 [sflag:s9], $0x10  }
0x32: {  	[sflag:s9] =	ssyncset.done @!p0 $0x0  }
.LBB2_1:
0x33: {  	s23 =	sadd.s32 $0xFFFFFFFF, s23;
	[sflag:s9] =	ssyncadd.s32 @!p0 $0xFFFFFFF0  }
0x34: {  	[spmem:s6], [sflag:s5] =	dma.local [hbm:s4], $0x270  }
0x35: {  	p1 =	sne.s32 s23, $0x0;
	_ =	swait.ge [sflag:s7], $0x270  }
0x36: {  	[sflag:s7] =	ssyncset.done $0x0  }
0x37: {  	[sflag:s7] =	ssyncadd.s32 $0xFFFFFD90  }
0x38: {  	[spmem:s10], [sflag:s5] =	dma.local @!p0 [hbm:s8], $0x10  }
0x39: {  	_ =	swait.ge @!p0 [sflag:s9], $0x10  }
0x3a: {  	[sflag:s9] =	ssyncset.done @!p0 $0x0  }
0x3b: {  	[sflag:s9] =	ssyncadd.s32 @!p0 $0xFFFFFFF0  }
0x3c: {  	[tilespmem:s3], [sflag:$0x3] =	stream.linear.gather [hbm4b:s11+s3], $0x2710, $0x38;
	[tilespmem:$0x19A28] =	vst v63  }
0x3d: {  	_ =	swait.ge [sflag:s7], $0x2710  }
0x3e: {  	[sflag:s7] =	ssyncset.done $0x0  }
0x3f: {  	[sflag:s7] =	ssyncadd.s32 $0xFFFFD8F0  }
0x40: {  	[tilespmem:s13], [sflag:$0x3] =	stream.linear.gather [hbm4b:s12+s3], $0x2710, $0x38;
	[tilespmem:$0x19A28] =	vst v63  }
0x41: {  	_ =	swait.ge [sflag:s7], $0x2710  }
0x42: {  	[sflag:s7] =	ssyncset.done $0x0  }
0x43: {  	[sflag:s7] =	ssyncadd.s32 $0xFFFFD8F0  }
0x44: {  	[bflag:$0x0] =	sbarrier.arrive $0xFFFF  }
0x45: {  	[tilespmem:s16], [sflag:$0x1] =	stream.indirect.gather [hbm4b:s14+s15], $0x8, s3, s15, $0xb8;
	[tilespmem:$0x19A28] =	vst v63  }
0x46: {  	_ = 	snop  }
0x47: {  	[tilespmem:s17], [sflag:$0x2] =	stream.indirect.gather [hbm4b:s14+s15], $0x8, s15, s15, $0xb8;
	[tilespmem:$0x19A28] =	vst v63  }
0x48: {  	_ =	swait.ge [sflag:s18], $0x9C40  }
0x49: {  	[sflag:s18] =	ssyncset.done $0x0  }
0x4a: {  	[sflag:s18] =	ssyncadd.s32 $0xFFFF63C0  }
0x4b: {  	[spmem:s2] =	stream.indirect.scatter.add.f32 [tilespmem:s16], [sflag:$0x3], $0x8, s13, s15, $0xb8;
	[tilespmem:$0x19A28] =	vst v63  }
0x4c: {  	_ =	swait.ge [sflag:s7], $0x9C40  }
0x4d: {  	[sflag:s7] =	ssyncset.done $0x0  }
0x4e: {  	[sflag:s7] =	ssyncadd.s32 $0xFFFF63C0  }
0x4f: {  	_ =	swait.ge [sflag:s19], $0x9C40  }
0x50: {  	[sflag:s19] =	ssyncset.done $0x0  }
0x51: {  	[sflag:s19] =	ssyncadd.s32 $0xFFFF63C0  }
0x52: {  	[spmem:s2] =	stream.indirect.scatter.add.f32 [tilespmem:s17], [sflag:$0x3], $0x8, s20, s15, $0xb8;
	[tilespmem:$0x19A28] =	vst v63  }
0x53: {  	_ =	swait.ge [sflag:s7], $0x9C40  }
0x54: {  	[sflag:s7] =	ssyncset.done $0x0  }
0x55: {  	[sflag:s7] =	ssyncadd.s32 $0xFFFF63C0  }
0x56: {  	[bflag:$0x0] =	sbarrier.arrive $0xFFFF  }
0x57: {  	[hbm:s21], [sflag:s5] =	dma.local [spmem:s6], $0x270  }
0x58: {  	_ =	swait.ge [sflag:s7], $0x270  }
.Ltmp1:
0x59: {  	[sflag:s7] =	ssyncset.done $0x0;
	(pc) =	sbr.rel @p1 .LBB2_1-.Ltmp1, $4  }
0x5a: {  	[sflag:s7] =	ssyncadd.s32 $0xFFFFFD90  }
0x5b: {  	[hbm:s22], [sflag:s5] =	dma.local @!p0 [spmem:s10], $0x10  }
0x5c: {  	_ =	swait.ge @!p0 [sflag:s9], $0x10  }
0x5d: {  	[sflag:s9] =	ssyncset.done @!p0 $0x0  }
.LBB2_2:
0x5e: {  	[sflag:s9] =	ssyncadd.s32 @!p0 $0xFFFFFFF0  }
0x5f: {  	_ =	sfence.sel $0x180000  }
0x60: {  	[bflag:$0x0] =	sbarrier.arrive $0xFFFF  }
0x61: {  	p0 =	sne.s32 s0, $0x0;
	_ =	strace $0x9000004A  }
0x62: {  	s0 =	sadd.s32 @!p0 $0x100000, s1;
	[bflag:$0x2] =	sbarrier.arrive $0xFFFF  }
0x63: {  	[sflag:s0] =	ssyncadd.tile.s32 @!p0 $0x1;
	_ =	shalt  }
.Lfunc_end2:
_tile_overlayer_lowered:
.L_overlay_start_2:
0x64: {  	(tag) =	ssettag $0x2  }
0x65: {  	s0 =	rddreg [dreg:$0x0];
	s2 =	stileid.u32  }
0x66: {  	s1 =	rddreg [dreg:$0x1];
	p0 =	sne.s32 s2, $0x0  }
0x67: {  	s3 =	rddreg [dreg:$0x2];
	[bflag:$0x3] =	sbarrier.arrive $0xFFFF;
	s2 =	simm.s32 @!p0 $0x1C03  }
0x68: {  	[timem:s3], [sflag:s2] =	dma.local @!p0 [hbm:s0], s1  }
0x69: {  	s0 =	simm.s32 @!p0 $0x3  }
0x6a: {  	_ =	swait.ge @!p0 [sflag:s0], s1  }
0x6b: {  	s1 =	ssub.s32 @!p0 $0x0, s1;
	[sflag:s0] =	ssyncset.done @!p0 $0x0  }
0x6c: {  	[sflag:s0] =	ssyncadd.s32 @!p0 s1  }
0x6d: {  	[bflag:$0x3] =	sbarrier.arrive $0xFFFF  }
0x6e: {  	_ =	shalt  }

// kernel: kernel.7.cloned.1.call-start
scs
__scs_entry_jumppad:
0x0: {  	(pc) =	sbr.rel $0x88, $3  }
0x1: {  	(tag) =	ssettag $0x0;
	lr =	simm.s32 $0x1  }
0x2: {  	[smem:$0x3F93] =	sst lr;
	_ =	strace $0xD0000000  }
0x3: {  	_ = 	snop  }
0x4: {  	_ = 	snop  }
0x5: {  	_ = 	snop  }
0x6: {  	_ = 	snop  }
0x7: {  	_ = 	snop  }
__scs_overlays_trampoline_lowered:
0x8: {  	[smem:$0x3FA2] =	sst s0  }
0x9: {  	[smem:$0x3FA3] =	sst s1  }
0xa: {  	[smem:$0x3FA4] =	sst s2  }
0xb: {  	[smem:$0x3FA5] =	sst s3  }
0xc: {  	[smem:$0x3FA6] =	sst s4  }
0xd: {  	[smem:$0x3FA7] =	sst s5  }
0xe: {  	[smem:$0x3FA8] =	sst s6  }
0xf: {  	[smem:$0x3FA9] =	sst s7  }
0x10: {  	[smem:$0x3FAA] =	sst s8  }
0x11: {  	[smem:$0x3FAB] =	sst s9;
	s0 =	simm.s32 @!p0 $0x0  }
0x12: {  	s1 =	sld [smem:$0x3F91];
	s0 =	simm.s32 @p0 $0x1  }
0x13: {  	[smem:$0x3FAC] =	sst s0;
	s0 =	simm.s32 @!p1 $0x0  }
0x14: {  	s2 =	sld [smem:$0x3F90];
	s0 =	simm.s32 @p1 $0x1  }
0x15: {  	[smem:$0x3FAD] =	sst s0;
	s0 =	simm.s32 @!p2 $0x0  }
0x16: {  	s3 =	sld [smem:$0x3FDB];
	s0 =	simm.s32 @p2 $0x1  }
0x17: {  	s4 =	simm.s32 $0x1BF5;
	[smem:$0x3FAF] =	sst s0  }
0x18: {  	s0 =	sld [smem:$0x3F92];
	_ =	swait.ge [sflag:s4], $0x0  }
0x19: {  	s7 =	sld [smem:$0x3F93]  }
0x1a: {  	s8 =	sadd.s32 $0xFFFFE003, lr  }
0x1b: {  	s9 =	sadd.s32 $0xFFFFFEF7, lr;
	s5 =	simm.s32 $0xFFFFFFFF;
	p2 =	slt.u32 s8, $0xFFFFF086  }
0x1c: {  	p1 =	slt.u32 s9, $0xF7A;
	s5 =	simm.s32 @!p2 $0x0  }
0x1d: {  	s5 =	simm.s32 @p1 $0x1;
	p0 =	seq.s32 s7, s2  }
0x1e: {  	s7 =	smul.u32 @!p0 $0xF7A, s2;
	p2 =	seq.s32 @!p0 s5, $0x0  }
0x1f: {  	s9 =	smul.u32 $0xF7A, s1;
	s8 =	simm.s32 @!p0 $0x1BF5;
	p2 =	por !p2, p0  }
0x20: {  	[sflag:s8] =	ssyncset.s32 @!p0 $0xFFFFF086;
	s6 =	sadd.s32 @!p0 s3, s7;
	s7 =	simm.s32 @!p0 $0x108  }
0x21: {  	s3 =	sadd.s32 s3, s9;
	s6 =	sadd.s32 @!p0 $0x88, s6;
	s7 =	simm.s32 @p2 $0x1082  }
0x22: {  	[simem:s7], [sflag:s8] =	dma.local @!p0 [hbm:s6], $0xF7A  }
0x23: {  	s9 =	sor.u32 $0xD0000000, s2;
	s6 =	simm.s32 $0x108;
	_ =	swait.ge @!p0 [sflag:s8], $0x0  }
0x24: {  	s3 =	sadd.s32 $0x88, s3;
	s6 =	simm.s32 @!p1 $0x1082;
	[sflag:s4] =	ssyncset.s32 $0xFFFFF086  }
0x25: {  	[simem:s6], [sflag:s4] =	dma.local [hbm:s3], $0xF7A  }
0x26: {  	[smem:$0x3F93] =	sst s1;
	(tag) =	ssettag s2;
	_ =	strace s9  }
0x27: {  	s1 =	sld [smem:$0x3FA3]  }
0x28: {  	s2 =	sld [smem:$0x3FA4]  }
0x29: {  	s4 =	sld [smem:$0x3FA6]  }
0x2a: {  	p0 =	seq.s32 s5, $0x0;
	s5 =	sld [smem:$0x3FA7]  }
0x2b: {  	s6 =	sld [smem:$0x3FA8]  }
0x2c: {  	s7 =	sld [smem:$0x3FA9]  }
0x2d: {  	s3 =	simm.s32 $0x108;
	s8 =	sld [smem:$0x3FAA]  }
0x2e: {  	s3 =	simm.s32 @!p0 $0x1082;
	s9 =	sld [smem:$0x3FAB]  }
0x2f: {  	lr =	sadd.s32 s0, s3;
	s0 =	sld [smem:$0x3FA2]  }
0x30: {  	s3 =	sld [smem:$0x3FA5]  }
0x31: {  	[smem:$0x3FAE] =	sst s10  }
0x32: {  	s10 =	sld [smem:$0x3FAC];
	_ =	sdelay $0x3  }
0x33: {  	p0 =	seq.s32 s10, $0x1;
	s10 =	sld [smem:$0x3FAE];
	_ =	sdelay $0x3  }
0x34: {  	[smem:$0x3FAE] =	sst s10  }
0x35: {  	s10 =	sld [smem:$0x3FAD];
	_ =	sdelay $0x3  }
0x36: {  	p1 =	seq.s32 s10, $0x1;
	s10 =	sld [smem:$0x3FAE];
	_ =	sdelay $0x3  }
0x37: {  	[smem:$0x3FAE] =	sst s10  }
0x38: {  	s10 =	sld [smem:$0x3FAF]  }
0x39: {  	_ = 	snop;
	(pc) =	sbr.ind lr, $3  }
0x3a: {  	_ = 	snop  }
0x3b: {  	_ = 	snop  }
0x3c: {  	p2 =	seq.s32 s10, $0x1;
	s10 =	sld [smem:$0x3FAE]  }
0x3d: {  	_ =	shalt  }
0x3e: {  	_ =	shalt  }
0x3f: {  	_ =	shalt  }
0x40: {  	_ =	shalt  }
0x41: {  	_ =	shalt  }
0x42: {  	_ =	shalt  }
0x43: {  	_ =	shalt  }
0x44: {  	_ =	shalt  }
0x45: {  	_ =	shalt  }
0x46: {  	_ =	shalt  }
0x47: {  	_ =	shalt  }
0x48: {  	_ =	shalt  }
0x49: {  	_ =	shalt  }
0x4a: {  	_ =	shalt  }
0x4b: {  	_ =	shalt  }
0x4c: {  	_ =	shalt  }
0x4d: {  	_ =	shalt  }
0x4e: {  	_ =	shalt  }
0x4f: {  	_ =	shalt  }
0x50: {  	_ =	shalt  }
0x51: {  	_ =	shalt  }
0x52: {  	_ =	shalt  }
0x53: {  	_ =	shalt  }
0x54: {  	_ =	shalt  }
0x55: {  	_ =	shalt  }
0x56: {  	_ =	shalt  }
0x57: {  	_ =	shalt  }
0x58: {  	_ =	shalt  }
0x59: {  	_ =	shalt  }
0x5a: {  	_ =	shalt  }
0x5b: {  	_ =	shalt  }
0x5c: {  	_ =	shalt  }
0x5d: {  	_ =	shalt  }
0x5e: {  	_ =	shalt  }
0x5f: {  	_ =	shalt  }
0x60: {  	_ =	shalt  }
0x61: {  	_ =	shalt  }
0x62: {  	_ =	shalt  }
0x63: {  	_ =	shalt  }
0x64: {  	_ =	shalt  }
0x65: {  	_ =	shalt  }
0x66: {  	_ =	shalt  }
0x67: {  	_ =	shalt  }
0x68: {  	_ =	shalt  }
0x69: {  	_ =	shalt  }
0x6a: {  	_ =	shalt  }
0x6b: {  	_ =	shalt  }
0x6c: {  	_ =	shalt  }
0x6d: {  	_ =	shalt  }
0x6e: {  	_ =	shalt  }
0x6f: {  	_ =	shalt  }
0x70: {  	_ =	shalt  }
0x71: {  	_ =	shalt  }
0x72: {  	_ =	shalt  }
0x73: {  	_ =	shalt  }
0x74: {  	_ =	shalt  }
0x75: {  	_ =	shalt  }
0x76: {  	_ =	shalt  }
0x77: {  	_ =	shalt  }
0x78: {  	_ =	shalt  }
0x79: {  	_ =	shalt  }
0x7a: {  	_ =	shalt  }
0x7b: {  	_ =	shalt  }
0x7c: {  	_ =	shalt  }
0x7d: {  	_ =	shalt  }
0x7e: {  	_ =	shalt  }
0x7f: {  	_ =	shalt  }
0x80: {  	_ =	shalt  }
0x81: {  	_ =	shalt  }
0x82: {  	_ =	shalt  }
0x83: {  	_ =	shalt  }
0x84: {  	_ =	shalt  }
0x85: {  	_ =	shalt  }
0x86: {  	_ =	shalt  }
0x87: {  	_ =	shalt  }
.Lfunc_end0:
.L_simem_size_0:
called_computation_lowered:
.L_overlay_start_0:
0x88: {  	s2 =	sld [smem:$0x3FD9]  }
0x89: {  	s3 =	sld [smem:$0x3FFE];
	_ =	sdelay $0x1  }
0x8a: {  	s1 =	srdreg.scid  }
0x8b: {  	s0 =	sand.u32 $0x1, s1  }
0x8c: {  	s16 =	sshll.u32 s0, $0xA;
	s2 =	sadd.s32 s3, s2  }
0x8d: {  	s2 =	sadd.s32 s2, s16  }
0x8e: {  	[smem:$0x3FBA] =	sst s2  }
0x8f: {  	_ = 	snop  }
0x90: {  	(tm) =	ssettm $0x1  }
0x91: {  	s17 =	sld [smem:$0x3FFB];
	_ =	sdelay $0x3  }
0x92: {  	_ =	strace s17  }
0x93: {  	s2 =	sld [smem:$0x3FFC];
	_ =	sdelay $0x3  }
0x94: {  	_ =	strace s2  }
0x95: {  	s2 =	sld [smem:$0x3FFD];
	_ =	sdelay $0x3  }
0x96: {  	_ =	strace s2  }
0x97: {  	_ =	strace $0x8FFFFFFF  }
0x98: {  	s18 =	sld [smem:$0x3FDB];
	_ =	sdelay $0x1  }
0x99: {  	s19 =	simm.s32 $_scs_section_size  }
0x9a: {  	s4 =	simm.s32 $_size__tile_overlayer_lowered;
	s5 =	simm.s32 $_tile_overlayer_lowered  }
0x9b: {  	s22 =	simm.s32 $0x1BFF;
	s21 =	sshll.u32 s5, $0x1;
	s2 =	sadd.s32 s19, s18  }
0x9c: {  	s6 =	simm.s32 $0x0;
	s20 =	sshll.u32 s4, $0x1;
	s4 =	sadd.s32 s21, s2  }
0x9d: {  	[timem:s6], [sflag:s22] =	dma.local [hbm:s4], s20  }
0x9e: {  	_ =	swait.ge [sflag:s22], s20  }
0x9f: {  	s3 =	ssub.s32 $0x0, s20;
	[sflag:s22] =	ssyncset.done $0x0  }
0xa0: {  	[sflag:s22] =	ssyncadd.s32 s3;
	_ =	sdelay $0x1  }
0xa1: {  	s23 =	simm.s32 $0x1B8B  }
0xa2: {  	_ =	swait.ge [sflag:s23], $0x1  }
0xa3: {  	[sflag:s23] =	ssyncset.done $0x0  }
0xa4: {  	s25 =	simm.s32 $0x1B8E;
	s24 =	sld [smem:$0x3FFE];
	[sflag:s23] =	ssyncadd.s32 $0xFFFFFFFF  }
0xa5: {  	s26 =	simm.s32 $execute0_lowered;
	[smem:$0x3FD2] =	sst s25  }
0xa6: {  	s4 =	sshll.u32 s26, $0x1;
	_ =	strace $0x80000046;
	[dreg:$0x1] =	wrdreg $0xFFFFFFFF  }
0xa7: {  	s28 =	simm.s32 $_size_execute0_lowered;
	s2 =	sadd.s32 s2, s4;
	[dreg:$0x0] =	wrdreg $0x0  }
0xa8: {  	s4 =	sshll.u32 s28, $0x1;
	[dreg:$0x2] =	wrdreg s2  }
0xa9: {  	[dreg:$0x3] =	wrdreg s4  }
0xaa: {  	[dreg:$0x4] =	wrdreg $0xC0  }
0xab: {  	_ =	task [dreg:s6], $0x5FFFF  }
0xac: {  	[dreg:$0x1] =	wrdreg $0xFFFFFFFF  }
0xad: {  	[dreg:$0x0] =	wrdreg $0x60  }
0xae: {  	[dreg:$0x2] =	wrdreg s24  }
0xaf: {  	[dreg:$0x3] =	wrdreg $0x186A00  }
0xb0: {  	[dreg:$0x4] =	wrdreg $0x9  }
0xb1: {  	_ =	task.clear_ibuf [dreg:s6], $0x5FFFF;
	_ =	strace $0x90000046  }
0xb2: {  	s29 =	simm.s32 $0x9;
	_ =	strace $0x80000048  }
0xb3: {  	_ =	swait.ge [sflag:s29], $0x1  }
0xb4: {  	[sflag:s29] =	ssyncadd.s32 $0xFFFFFFFF  }
0xb5: {  	_ =	strace $0x90000048  }
0xb6: {  	_ =	sfence  }
0xb7: {  	s30 =	sld [smem:$0x0];
	_ =	sdelay $0x2  }
0xb8: {  	s31 =	sshll.u32 s1, $0xD;
	s1 =	sshrl.u32 s1, $0x2  }
0xb9: {  	s3 =	sand.u32 $0x4000, s31;
	s1 =	sadd.s32 s1, s30  }
0xba: {  	s0 =	sor.u32 s3, s0;
	s1 =	sshll.u32 s1, $0x11  }
0xbb: {  	s0 =	sor.u32 s1, s0  }
0xbc: {  	s0 =	sadd.s32 $0x8F2B, s0  }
0xbd: {  	[sflag:s0] =	ssyncadd.remote.s32 $0x1  }
0xbe: {  	_ =	sfence.sel $0xFFFF  }
0xbf: {  	[dreg:$0x0] =	wrdreg $0xFFFFFFFF;
	(pc) =	sbr.abs _section_cstart, $3  }
0xc0: {  	[dreg:$0x1] =	wrdreg $0xFFFFFFFF  }
0xc1: {  	_ =	task.clear_ibuf [dreg:s6], $0x2FFFF;
	_ =	strace $0x9FFFFFFF  }
0xc2: {  	(tm) =	ssettm $0x7FFFFFFF  }
0xc3: {  	_ =	shalt  }
tec
execute0_lowered:
.L_overlay_start_1:
0x0: {  	(tag) =	ssettag $0x1  }
0x1: {  	s21 =	rddreg [dreg:$0x0]  }
0x2: {  	s2 =	rddreg [dreg:$0x1];
	s0 =	stileid.u32  }
0x3: {  	s4 =	srdreg.scid;
	s1 =	rddreg [dreg:$0x2]  }
0x4: {  	s3 =	simm.s32 $0x0;
	s7 =	simm.s32 $0x3;
	s22 =	smul.u32 $0x1380, s0  }
0x5: {  	s23 =	sand.u32 $0x1, s4;
	[smem:$0x7FF] =	sst s3;
	s26 =	sshll.u32 s0, $0x6  }
0x6: {  	s4 =	sshll.u32 s23, $0x4;
	_ =	strace $0x80000047;
	s5 =	sshrl.u32 s22, $0x3  }
0x7: {  	s8 =	sor.u32 s0, s4;
	s6 =	sadd.s32 s22, s2;
	s25 =	sadd.s32 s5, s21  }
0x8: {  	s5 =	sor.u32 $0x1C03, s26;
	s6 =	sshrl.u32 s6, $0x3;
	s4 =	sadd.s32 $0x18200, s25  }
0x9: {  	[spmem:s6], [sflag:s5] =	dma.local [hbm:s4], $0x270  }
0xa: {  	s9 =	sadd.s32 $0x13800, s2;
	p0 =	sne.s32 s0, $0xF;
	_ =	swait.ge [sflag:s7], $0x270  }
0xb: {  	s10 =	sshrl.u32 @!p0 s9, $0x3;
	s9 =	simm.s32 @!p0 $0x3;
	[sflag:s7] =	ssyncset.done $0x0  }
0xc: {  	s11 =	smul.u32 $0x2710, s8;
	s8 =	sadd.s32 $0x1A900, s21;
	[sflag:s7] =	ssyncadd.s32 $0xFFFFFD90  }
0xd: {  	[spmem:s10], [sflag:s5] =	dma.local @!p0 [hbm:s8], $0x10  }
0xe: {  	s11 =	sshrl.u32 s11, $0x3;
	_ =	swait.ge @!p0 [sflag:s9], $0x10  }
0xf: {  	s12 =	sadd.s32 s11, s21;
	[sflag:s9] =	ssyncset.done @!p0 $0x0  }
0x10: {  	s11 =	sadd.s32 $0x4800, s12;
	[sflag:s9] =	ssyncadd.s32 @!p0 $0xFFFFFFF0  }
0x11: {  	[tilespmem:s3], [sflag:$0x3] =	stream.linear.gather [hbm4b:s11+s3], $0x2710, $0x38;
	[tilespmem:$0x19A28] =	vst v63  }
0x12: {  	_ =	swait.ge [sflag:s7], $0x2710  }
0x13: {  	[sflag:s7] =	ssyncset.done $0x0  }
0x14: {  	s13 =	simm.s32 $0x2710;
	s12 =	sadd.s32 $0xE440, s12;
	[sflag:s7] =	ssyncadd.s32 $0xFFFFD8F0  }
0x15: {  	[tilespmem:s13], [sflag:$0x3] =	stream.linear.gather [hbm4b:s12+s3], $0x2710, $0x38;
	[tilespmem:$0x19A28] =	vst v63  }
0x16: {  	_ =	swait.ge [sflag:s7], $0x2710  }
0x17: {  	[sflag:s7] =	ssyncset.done $0x0  }
0x18: {  	s15 =	simm.s32 $0x1388;
	[sflag:s7] =	ssyncadd.s32 $0xFFFFD8F0  }
0x19: {  	s16 =	simm.s32 $0x4E20;
	s14 =	sadd.s32 $0x2000, s21;
	[bflag:$0x0] =	sbarrier.arrive $0xFFFF  }
0x1a: {  	[tilespmem:s16], [sflag:$0x1] =	stream.indirect.gather [hbm4b:s14+s15], $0x8, s3, s15, $0xb8;
	[tilespmem:$0x19A28] =	vst v63  }
0x1b: {  	s17 =	simm.s32 $0xEA60;
	s18 =	simm.s32 $0x1  }
0x1c: {  	[tilespmem:s17], [sflag:$0x2] =	stream.indirect.gather [hbm4b:s14+s15], $0x8, s15, s15, $0xb8;
	[tilespmem:$0x19A28] =	vst v63  }
0x1d: {  	_ =	swait.ge [sflag:s18], $0x9C40  }
0x1e: {  	[sflag:s18] =	ssyncset.done $0x0  }
0x1f: {  	[sflag:s18] =	ssyncadd.s32 $0xFFFF63C0  }
0x20: {  	[spmem:s2] =	stream.indirect.scatter.add.f32 [tilespmem:s16], [sflag:$0x3], $0x8, s13, s15, $0xb8;
	[tilespmem:$0x19A28] =	vst v63  }
0x21: {  	_ =	swait.ge [sflag:s7], $0x9C40  }
0x22: {  	[sflag:s7] =	ssyncset.done $0x0  }
0x23: {  	s19 =	simm.s32 $0x2;
	[sflag:s7] =	ssyncadd.s32 $0xFFFF63C0  }
0x24: {  	s24 =	smul.u32 $0x13880, s23;
	s29 =	ssub.s32 $0x2, s23;
	_ =	swait.ge [sflag:s19], $0x9C40  }
0x25: {  	s20 =	simm.s32 $0x3A98;
	s23 =	sshrl.u32 s29, $0x1;
	[sflag:s19] =	ssyncset.done $0x0  }
0x26: {  	s28 =	sadd.s32 s22, s24;
	s22 =	ssub.s32 s29, s23;
	[sflag:s19] =	ssyncadd.s32 $0xFFFF63C0  }
0x27: {  	[spmem:s2] =	stream.indirect.scatter.add.f32 [tilespmem:s17], [sflag:$0x3], $0x8, s20, s15, $0xb8;
	[tilespmem:$0x19A28] =	vst v63  }
0x28: {  	s30 =	sshrl.u32 s24, $0x3;
	s25 =	sadd.s32 $0x1AA00, s21;
	_ =	swait.ge [sflag:s7], $0x9C40  }
0x29: {  	s31 =	smax.u32 s22, $0x1;
	s23 =	sadd.s32 s25, s30;
	[sflag:s7] =	ssyncset.done $0x0  }
0x2a: {  	s21 =	sshrl.u32 s28, $0x3;
	s22 =	sadd.s32 $0x2700, s23;
	[sflag:s7] =	ssyncadd.s32 $0xFFFF63C0  }
0x2b: {  	s23 =	sadd.s32 $0xFFFFFFFF, s31;
	s21 =	sadd.s32 s25, s21;
	[bflag:$0x0] =	sbarrier.arrive $0xFFFF  }
0x2c: {  	[hbm:s21], [sflag:s5] =	dma.local [spmem:s6], $0x270  }
0x2d: {  	p1 =	sne.s32 s23, $0x0;
	_ =	swait.ge [sflag:s7], $0x270  }
.Ltmp0:
0x2e: {  	[sflag:s7] =	ssyncset.done $0x0;
	(pc) =	sbr.rel @!p1 .LBB2_2-.Ltmp0, $4  }
0x2f: {  	[sflag:s7] =	ssyncadd.s32 $0xFFFFFD90  }
0x30: {  	[hbm:s22], [sflag:s5] =	dma.local @!p0 [spmem:s10], $0x10  }
0x31: {  	_ =	swait.ge @!p0 [sflag:s9], $0x10  }
0x32: {  	[sflag:s9] =	ssyncset.done @!p0 $0x0  }
.LBB2_1:
0x33: {  	s23 =	sadd.s32 $0xFFFFFFFF, s23;
	[sflag:s9] =	ssyncadd.s32 @!p0 $0xFFFFFFF0  }
0x34: {  	[spmem:s6], [sflag:s5] =	dma.local [hbm:s4], $0x270  }
0x35: {  	p1 =	sne.s32 s23, $0x0;
	_ =	swait.ge [sflag:s7], $0x270  }
0x36: {  	[sflag:s7] =	ssyncset.done $0x0  }
0x37: {  	[sflag:s7] =	ssyncadd.s32 $0xFFFFFD90  }
0x38: {  	[spmem:s10], [sflag:s5] =	dma.local @!p0 [hbm:s8], $0x10  }
0x39: {  	_ =	swait.ge @!p0 [sflag:s9], $0x10  }
0x3a: {  	[sflag:s9] =	ssyncset.done @!p0 $0x0  }
0x3b: {  	[sflag:s9] =	ssyncadd.s32 @!p0 $0xFFFFFFF0  }
0x3c: {  	[tilespmem:s3], [sflag:$0x3] =	stream.linear.gather [hbm4b:s11+s3], $0x2710, $0x38;
	[tilespmem:$0x19A28] =	vst v63  }
0x3d: {  	_ =	swait.ge [sflag:s7], $0x2710  }
0x3e: {  	[sflag:s7] =	ssyncset.done $0x0  }
0x3f: {  	[sflag:s7] =	ssyncadd.s32 $0xFFFFD8F0  }
0x40: {  	[tilespmem:s13], [sflag:$0x3] =	stream.linear.gather [hbm4b:s12+s3], $0x2710, $0x38;
	[tilespmem:$0x19A28] =	vst v63  }
0x41: {  	_ =	swait.ge [sflag:s7], $0x2710  }
0x42: {  	[sflag:s7] =	ssyncset.done $0x0  }
0x43: {  	[sflag:s7] =	ssyncadd.s32 $0xFFFFD8F0  }
0x44: {  	[bflag:$0x0] =	sbarrier.arrive $0xFFFF  }
0x45: {  	[tilespmem:s16], [sflag:$0x1] =	stream.indirect.gather [hbm4b:s14+s15], $0x8, s3, s15, $0xb8;
	[tilespmem:$0x19A28] =	vst v63  }
0x46: {  	_ = 	snop  }
0x47: {  	[tilespmem:s17], [sflag:$0x2] =	stream.indirect.gather [hbm4b:s14+s15], $0x8, s15, s15, $0xb8;
	[tilespmem:$0x19A28] =	vst v63  }
0x48: {  	_ =	swait.ge [sflag:s18], $0x9C40  }
0x49: {  	[sflag:s18] =	ssyncset.done $0x0  }
0x4a: {  	[sflag:s18] =	ssyncadd.s32 $0xFFFF63C0  }
0x4b: {  	[spmem:s2] =	stream.indirect.scatter.add.f32 [tilespmem:s16], [sflag:$0x3], $0x8, s13, s15, $0xb8;
	[tilespmem:$0x19A28] =	vst v63  }
0x4c: {  	_ =	swait.ge [sflag:s7], $0x9C40  }
0x4d: {  	[sflag:s7] =	ssyncset.done $0x0  }
0x4e: {  	[sflag:s7] =	ssyncadd.s32 $0xFFFF63C0  }
0x4f: {  	_ =	swait.ge [sflag:s19], $0x9C40  }
0x50: {  	[sflag:s19] =	ssyncset.done $0x0  }
0x51: {  	[sflag:s19] =	ssyncadd.s32 $0xFFFF63C0  }
0x52: {  	[spmem:s2] =	stream.indirect.scatter.add.f32 [tilespmem:s17], [sflag:$0x3], $0x8, s20, s15, $0xb8;
	[tilespmem:$0x19A28] =	vst v63  }
0x53: {  	_ =	swait.ge [sflag:s7], $0x9C40  }
0x54: {  	[sflag:s7] =	ssyncset.done $0x0  }
0x55: {  	[sflag:s7] =	ssyncadd.s32 $0xFFFF63C0  }
0x56: {  	[bflag:$0x0] =	sbarrier.arrive $0xFFFF  }
0x57: {  	[hbm:s21], [sflag:s5] =	dma.local [spmem:s6], $0x270  }
0x58: {  	_ =	swait.ge [sflag:s7], $0x270  }
.Ltmp1:
0x59: {  	[sflag:s7] =	ssyncset.done $0x0;
	(pc) =	sbr.rel @p1 .LBB2_1-.Ltmp1, $4  }
0x5a: {  	[sflag:s7] =	ssyncadd.s32 $0xFFFFFD90  }
0x5b: {  	[hbm:s22], [sflag:s5] =	dma.local @!p0 [spmem:s10], $0x10  }
0x5c: {  	_ =	swait.ge @!p0 [sflag:s9], $0x10  }
0x5d: {  	[sflag:s9] =	ssyncset.done @!p0 $0x0  }
.LBB2_2:
0x5e: {  	[sflag:s9] =	ssyncadd.s32 @!p0 $0xFFFFFFF0  }
0x5f: {  	_ =	sfence.sel $0x180000  }
0x60: {  	[bflag:$0x0] =	sbarrier.arrive $0xFFFF  }
0x61: {  	p0 =	sne.s32 s0, $0x0;
	_ =	strace $0x90000047  }
0x62: {  	s0 =	sadd.s32 @!p0 $0x100000, s1;
	[bflag:$0x2] =	sbarrier.arrive $0xFFFF  }
0x63: {  	[sflag:s0] =	ssyncadd.tile.s32 @!p0 $0x1;
	_ =	shalt  }
.Lfunc_end2:
_tile_overlayer_lowered:
.L_overlay_start_2:
0x64: {  	(tag) =	ssettag $0x2  }
0x65: {  	s0 =	rddreg [dreg:$0x0];
	s2 =	stileid.u32  }
0x66: {  	s1 =	rddreg [dreg:$0x1];
	p0 =	sne.s32 s2, $0x0  }
0x67: {  	s3 =	rddreg [dreg:$0x2];
	[bflag:$0x3] =	sbarrier.arrive $0xFFFF;
	s2 =	simm.s32 @!p0 $0x1C03  }
0x68: {  	[timem:s3], [sflag:s2] =	dma.local @!p0 [hbm:s0], s1  }
0x69: {  	s0 =	simm.s32 @!p0 $0x3  }
0x6a: {  	_ =	swait.ge @!p0 [sflag:s0], s1  }
0x6b: {  	s1 =	ssub.s32 @!p0 $0x0, s1;
	[sflag:s0] =	ssyncset.done @!p0 $0x0  }
0x6c: {  	[sflag:s0] =	ssyncadd.s32 @!p0 s1  }
0x6d: {  	[bflag:$0x3] =	sbarrier.arrive $0xFFFF  }
0x6e: {  	_ =	shalt  }

</sc_bundles>
